<compile_context>
chip_gen: v7x
topology: tpu7x:2x2x1
jax: 0.10.2.dev20260603
libtpu: 0.0.44.dev20260713+nightly
codegen_flags: <defaults>
</compile_context>

<pallas_src>
import jax
import jax.numpy as jnp
from jax import lax
from jax.experimental import pallas as pl
from jax.experimental.pallas import tpu as pltpu
from jax.experimental.pallas import tpu_sc as plsc

NC = 2
NS = 16
NW = NC * NS
L = 16

SJ = 2
SC_ = 100
S = SJ * SC_
D = 64
KD = D // L

_EPS = 1e-5
_MAGIC = 0x5F3759DF

_DNUMS = lax.GatherDimensionNumbers(
    offset_dims=(), collapsed_slice_dims=(0,), start_index_map=(0,))


def _bcast_lane(vec, lane):
  idx = jnp.full((L, 1), lane, jnp.int32)
  return lax.gather(vec, idx, dimension_numbers=_DNUMS, slice_sizes=(1,),
                    mode=lax.GatherScatterMode.PROMISE_IN_BOUNDS)


def _body(x_hbm, seg_hbm, tok_hbm, pos_hbm, segtab_hbm, g_hbm, b_hbm,
          out_hbm, xidx_v, segv, posv, segtab_v, gv, bv,
          rows0, rows1, ostg0, ostg1, sem_g0, sem_g1, sem_o0, sem_o1):
  nb = x_hbm.shape[0] // NW
  wid = lax.axis_index("s") * NC + lax.axis_index("c")
  b0 = wid * nb

  pltpu.sync_copy(pos_hbm, posv)
  pltpu.sync_copy(segtab_hbm, segtab_v)
  pltpu.sync_copy(g_hbm, gv)
  pltpu.sync_copy(b_hbm, bv)
  pltpu.sync_copy(x_hbm.at[pl.ds(b0, nb)], xidx_v)
  pltpu.sync_copy(seg_hbm.at[pl.ds(b0, nb)], segv)

  g = [gv[k] for k in range(KD)]
  bt = [bv[k] for k in range(KD)]
  s0 = [segtab_v[0, pl.ds(k * L, L)] for k in range(KD)]
  sd = [segtab_v[1, pl.ds(k * L, L)] - s0[k] for k in range(KD)]

  rows_sl = (rows0, rows1)
  ostg_sl = (ostg0, ostg1)
  sem_g = (sem_g0, sem_g1)
  sem_o = (sem_o0, sem_o1)

  def start_gather(i, slot):
    for j in range(SJ):
      pltpu.async_copy(tok_hbm.at[xidx_v.at[i, j]],
                       rows_sl[slot].at[pl.ds(j * SC_, SC_)], sem_g[slot])

  def wait_gather(i, slot):
    for j in range(SJ):
      pltpu.make_async_copy(tok_hbm.at[xidx_v.at[i, j]],
                            rows_sl[slot].at[pl.ds(j * SC_, SC_)],
                            sem_g[slot]).wait()

  def start_out(i, slot):
    pltpu.async_copy(ostg_sl[slot], out_hbm.at[b0 + i], sem_o[slot])

  def wait_out(i, slot):
    pltpu.make_async_copy(ostg_sl[slot], out_hbm.at[b0 + i],
                          sem_o[slot]).wait()

  def compute(i, slot):
    rows = rows_sl[slot]
    ostg = ostg_sl[slot]

    @plsc.parallel_loop(0, S, unroll=2)
    def rowbody(r):
      m = plsc.load_gather(segv, [jnp.full((L,), i, jnp.int32),
                                  jnp.full((L,), r, jnp.int32)])
      vs = []
      for k in range(KD):
        v = rows[r, pl.ds(k * L, L)] + posv[r, pl.ds(k * L, L)]
        v = v + (m * sd[k] + s0[k])
        vs.append(v)
      t = (vs[0] + vs[1]) + (vs[2] + vs[3])
      u = ((vs[0] * vs[0] + vs[1] * vs[1])
           + (vs[2] * vs[2] + vs[3] * vs[3]))
      mean = jnp.full((L,), jnp.sum(t)) * (1.0 / D)
      ex2 = jnp.full((L,), jnp.sum(u)) * (1.0 / D)
      var = ex2 - mean * mean + _EPS
      iv = plsc.bitcast(var, jnp.int32)
      iv = jnp.full((L,), _MAGIC, jnp.int32) - lax.shift_right_logical(iv, 1)
      y = plsc.bitcast(iv, jnp.float32)
      for _ in range(3):
        y = y * (1.5 - 0.5 * var * y * y)
      for k in range(KD):
        o = (vs[k] - mean) * (y * g[k]) + bt[k]
        ostg[r, pl.ds(k * L, L)] = o

  start_gather(0, 0)

  def iter2(it2, carry):
    for s2 in range(2):
      i = it2 * 2 + s2

      @pl.when(i + 1 < nb)
      def _():
        start_gather(i + 1, 1 - s2)

      wait_gather(i, s2)

      @pl.when(i >= 2)
      def _():
        wait_out(i - 2, s2)

      compute(i, s2)
      start_out(i, s2)
    return carry

  lax.fori_loop(0, nb // 2, iter2, 0)
  wait_out(nb - 2, 0)
  wait_out(nb - 1, 1)


def kernel(x, seg, tok_table, pos_table, seg_table, gamma, beta):
  B, seq = x.shape
  d = tok_table.shape[1]
  x3 = x.reshape(B, SJ, SC_)
  segf = jnp.pad(seg.astype(jnp.float32), ((0, 0), (0, 256 - seq)))
  g2 = gamma.reshape(KD, L)
  b2 = beta.reshape(KD, L)
  nb = B // NW

  mesh = plsc.VectorSubcoreMesh(core_axis_name="c", subcore_axis_name="s")
  fn = pl.kernel(
      _body,
      out_type=jax.ShapeDtypeStruct((B, seq, d), jnp.float32),
      mesh=mesh,
      compiler_params=pltpu.CompilerParams(
          needs_layout_passes=False, use_tc_tiling_on_sc=False),
      scratch_types=[
          pltpu.VMEM((nb, SJ, SC_), jnp.int32),
          pltpu.VMEM((nb, 256), jnp.float32),
          pltpu.VMEM((S, d), jnp.float32),
          pltpu.VMEM((2, d), jnp.float32),
          pltpu.VMEM((KD, L), jnp.float32),
          pltpu.VMEM((KD, L), jnp.float32),
          pltpu.VMEM((S, d), jnp.float32),
          pltpu.VMEM((S, d), jnp.float32),
          pltpu.VMEM((S, d), jnp.float32),
          pltpu.VMEM((S, d), jnp.float32),
          pltpu.SemaphoreType.DMA,
          pltpu.SemaphoreType.DMA,
          pltpu.SemaphoreType.DMA,
          pltpu.SemaphoreType.DMA,
      ],
  )
  return fn(x3, segf, tok_table, pos_table, seg_table, g2, b2)

# --- scband reference (transcript-rebuilt; emitter-appended) ---
"""Pipeline reference for scband-embedding-52398601011221 (READ-ONLY COPY).

The authoritative reference and input builder live on the scoring server;
editing this copy changes nothing except your own understanding.
"""

import jax, jax.numpy as jnp
import numpy as np

VOCAB = 1000000
D_MODEL = 64
MAX_LEN = 200
N_SEG = 2
B = 1024
S = 200


def setup_inputs(seed: int = 0) -> dict:
    key = jax.random.key(seed)
    k1, k2, k3, k4, k5 = jax.random.split(key, 5)
    x = jax.random.randint(k1, (B, S), 0, VOCAB, dtype=jnp.int64 if jax.config.jax_enable_x64 else jnp.int32).astype(jnp.int32)
    seg = jax.random.randint(k2, (B, S), 0, N_SEG).astype(jnp.int32)
    tok_table = jax.random.normal(k3, (VOCAB, D_MODEL), dtype=jnp.float32)
    pos_table = jax.random.normal(k4, (MAX_LEN, D_MODEL), dtype=jnp.float32)
    seg_table = jax.random.normal(k5, (N_SEG, D_MODEL), dtype=jnp.float32)
    gamma = jnp.ones((D_MODEL,), dtype=jnp.float32)
    beta = jnp.zeros((D_MODEL,), dtype=jnp.float32)
    return {"x": x, "seg": seg, "tok_table": tok_table, "pos_table": pos_table, "seg_table": seg_table, "gamma": gamma, "beta": beta}


def layer_norm(h, gamma, beta, eps=1e-5):
    mean = jnp.mean(h, axis=-1, keepdims=True)
    var = jnp.mean(jnp.square(h - mean), axis=-1, keepdims=True)
    return (h - mean) / jnp.sqrt(var + eps) * gamma + beta


def reference(x, seg, tok_table, pos_table, seg_table, gamma, beta):
    bsz, seq_len = x.shape
    pos = jnp.arange(seq_len, dtype=x.dtype)
    pos = jnp.broadcast_to(pos[None, :], x.shape)
    emb = jnp.take(tok_table, x, axis=0) + jnp.take(pos_table, pos, axis=0) + jnp.take(seg_table, seg, axis=0)
    return layer_norm(emb, gamma, beta)

if __name__ == "__main__":
    import jax
    _d = setup_inputs()
    print(jax.jit(kernel)(*tuple(_d.values())))

</pallas_src>

<mosaic_0001>
#map = affine_map<(d0, d1) -> (0, 0, 0)>
#map1 = affine_map<(d0, d1) -> (0, 0)>
module attributes {stable_mosaic.version = 14 : i64} {
  func.func @_body(%arg0: i32, %arg1: i32, %arg2: memref<1024x2x100xi32, #tpu.memory_space<hbm>>, %arg3: memref<1024x256xf32, #tpu.memory_space<hbm>>, %arg4: memref<1000000x64xf32, #tpu.memory_space<hbm>>, %arg5: memref<200x64xf32, #tpu.memory_space<hbm>>, %arg6: memref<2x64xf32, #tpu.memory_space<hbm>>, %arg7: memref<4x16xf32, #tpu.memory_space<hbm>>, %arg8: memref<4x16xf32, #tpu.memory_space<hbm>>, %arg9: memref<1024x200x64xf32, #tpu.memory_space<hbm>>, %arg10: memref<32x2x100xi32, #tpu.memory_space<vmem>>, %arg11: memref<32x256xf32, #tpu.memory_space<vmem>>, %arg12: memref<200x64xf32, #tpu.memory_space<vmem>>, %arg13: memref<2x64xf32, #tpu.memory_space<vmem>>, %arg14: memref<4x16xf32, #tpu.memory_space<vmem>>, %arg15: memref<4x16xf32, #tpu.memory_space<vmem>>, %arg16: memref<200x64xf32, #tpu.memory_space<vmem>>, %arg17: memref<200x64xf32, #tpu.memory_space<vmem>>, %arg18: memref<200x64xf32, #tpu.memory_space<vmem>>, %arg19: memref<200x64xf32, #tpu.memory_space<vmem>>, %arg20: memref<!tpu.dma_semaphore, #tpu.memory_space<semaphore_mem>>, %arg21: memref<!tpu.dma_semaphore, #tpu.memory_space<semaphore_mem>>, %arg22: memref<!tpu.dma_semaphore, #tpu.memory_space<semaphore_mem>>, %arg23: memref<!tpu.dma_semaphore, #tpu.memory_space<semaphore_mem>>) attributes {dimension_semantics = [#tpu.dimension_semantics<core_parallel>, #tpu.dimension_semantics<subcore_parallel>], iteration_bounds = array<i64: 2, 16>, scalar_prefetch = 0 : i64, scratch_operands = 14 : i64, tpu.core_type = #tpu.core_type<sc_vector_subcore>, window_params = [{transform_indices = #map}, {transform_indices = #map1}, {transform_indices = #map1}, {transform_indices = #map1}, {transform_indices = #map1}, {transform_indices = #map1}, {transform_indices = #map1}, {transform_indices = #map}]} {
    %mul3A = arith.constant 2 : i32
    %mul3A_0 = arith.muli %arg1, %mul3A : i32
    %add3A = arith.addi %mul3A_0, %arg0 : i32
    %mul3A_1 = arith.constant 32 : i32
    %mul3A_2 = arith.muli %add3A, %mul3A_1 : i32
    "tpu.region"() ({
      %run_scoped3A = tpu.sem_alloc : memref<!tpu.dma_semaphore, #tpu.memory_space<semaphore_mem>>
      tpu.enqueue_dma source(%arg5 : memref<200x64xf32, #tpu.memory_space<hbm>>) target(%arg12 : memref<200x64xf32, #tpu.memory_space<vmem>>) target_semaphore(%run_scoped3A : memref<!tpu.dma_semaphore, #tpu.memory_space<semaphore_mem>>)
      tpu.wait_dma2 semaphore(%run_scoped3A : memref<!tpu.dma_semaphore, #tpu.memory_space<semaphore_mem>>) src(%arg5 : memref<200x64xf32, #tpu.memory_space<hbm>>) dst(%arg12 : memref<200x64xf32, #tpu.memory_space<vmem>>)
      tpu.yield
    }) : () -> ()
    "tpu.region"() ({
      %run_scoped3A = tpu.sem_alloc : memref<!tpu.dma_semaphore, #tpu.memory_space<semaphore_mem>>
      tpu.enqueue_dma source(%arg6 : memref<2x64xf32, #tpu.memory_space<hbm>>) target(%arg13 : memref<2x64xf32, #tpu.memory_space<vmem>>) target_semaphore(%run_scoped3A : memref<!tpu.dma_semaphore, #tpu.memory_space<semaphore_mem>>)
      tpu.wait_dma2 semaphore(%run_scoped3A : memref<!tpu.dma_semaphore, #tpu.memory_space<semaphore_mem>>) src(%arg6 : memref<2x64xf32, #tpu.memory_space<hbm>>) dst(%arg13 : memref<2x64xf32, #tpu.memory_space<vmem>>)
      tpu.yield
    }) : () -> ()
    "tpu.region"() ({
      %run_scoped3A = tpu.sem_alloc : memref<!tpu.dma_semaphore, #tpu.memory_space<semaphore_mem>>
      tpu.enqueue_dma source(%arg7 : memref<4x16xf32, #tpu.memory_space<hbm>>) target(%arg14 : memref<4x16xf32, #tpu.memory_space<vmem>>) target_semaphore(%run_scoped3A : memref<!tpu.dma_semaphore, #tpu.memory_space<semaphore_mem>>)
      tpu.wait_dma2 semaphore(%run_scoped3A : memref<!tpu.dma_semaphore, #tpu.memory_space<semaphore_mem>>) src(%arg7 : memref<4x16xf32, #tpu.memory_space<hbm>>) dst(%arg14 : memref<4x16xf32, #tpu.memory_space<vmem>>)
      tpu.yield
    }) : () -> ()
    "tpu.region"() ({
      %run_scoped3A = tpu.sem_alloc : memref<!tpu.dma_semaphore, #tpu.memory_space<semaphore_mem>>
      tpu.enqueue_dma source(%arg8 : memref<4x16xf32, #tpu.memory_space<hbm>>) target(%arg15 : memref<4x16xf32, #tpu.memory_space<vmem>>) target_semaphore(%run_scoped3A : memref<!tpu.dma_semaphore, #tpu.memory_space<semaphore_mem>>)
      tpu.wait_dma2 semaphore(%run_scoped3A : memref<!tpu.dma_semaphore, #tpu.memory_space<semaphore_mem>>) src(%arg8 : memref<4x16xf32, #tpu.memory_space<hbm>>) dst(%arg15 : memref<4x16xf32, #tpu.memory_space<vmem>>)
      tpu.yield
    }) : () -> ()
    "tpu.region"() ({
      %run_scoped3A = tpu.sem_alloc : memref<!tpu.dma_semaphore, #tpu.memory_space<semaphore_mem>>
      %dma_start3A_114 = arith.constant 0 : i32
      %dma_start3A_115 = arith.constant 0 : i32
      %dma_start3A_116 = tpu.memref_slice %arg2[%mul3A_2, %dma_start3A_114, %dma_start3A_115] : memref<1024x2x100xi32, #tpu.memory_space<hbm>> -> memref<32x2x100xi32, #tpu.memory_space<hbm>>
      %dma_start3A_117 = arith.constant 0 : i32
      %dma_start3A_118 = arith.constant 0 : i32
      %dma_start3A_119 = tpu.memref_slice %arg2[%mul3A_2, %dma_start3A_117, %dma_start3A_118] : memref<1024x2x100xi32, #tpu.memory_space<hbm>> -> memref<32x2x100xi32, #tpu.memory_space<hbm>>
      tpu.enqueue_dma source(%dma_start3A_119 : memref<32x2x100xi32, #tpu.memory_space<hbm>>) target(%arg10 : memref<32x2x100xi32, #tpu.memory_space<vmem>>) target_semaphore(%run_scoped3A : memref<!tpu.dma_semaphore, #tpu.memory_space<semaphore_mem>>)
      %dma_wait3A_120 = arith.constant 0 : i32
      %dma_wait3A_121 = arith.constant 0 : i32
      %dma_wait3A_122 = tpu.memref_slice %arg2[%mul3A_2, %dma_wait3A_120, %dma_wait3A_121] : memref<1024x2x100xi32, #tpu.memory_space<hbm>> -> memref<32x2x100xi32, #tpu.memory_space<hbm>>
      %dma_wait3A_123 = arith.constant 0 : i32
      %dma_wait3A_124 = arith.constant 0 : i32
      %dma_wait3A_125 = tpu.memref_slice %arg2[%mul3A_2, %dma_wait3A_123, %dma_wait3A_124] : memref<1024x2x100xi32, #tpu.memory_space<hbm>> -> memref<32x2x100xi32, #tpu.memory_space<hbm>>
      tpu.wait_dma2 semaphore(%run_scoped3A : memref<!tpu.dma_semaphore, #tpu.memory_space<semaphore_mem>>) src(%dma_wait3A_125 : memref<32x2x100xi32, #tpu.memory_space<hbm>>) dst(%arg10 : memref<32x2x100xi32, #tpu.memory_space<vmem>>)
      tpu.yield
    }) : () -> ()
    "tpu.region"() ({
      %run_scoped3A = tpu.sem_alloc : memref<!tpu.dma_semaphore, #tpu.memory_space<semaphore_mem>>
      %dma_start3A_114 = arith.constant 0 : i32
      %dma_start3A_115 = tpu.memref_slice %arg3[%mul3A_2, %dma_start3A_114] : memref<1024x256xf32, #tpu.memory_space<hbm>> -> memref<32x256xf32, #tpu.memory_space<hbm>>
      %dma_start3A_116 = arith.constant 0 : i32
      %dma_start3A_117 = tpu.memref_slice %arg3[%mul3A_2, %dma_start3A_116] : memref<1024x256xf32, #tpu.memory_space<hbm>> -> memref<32x256xf32, #tpu.memory_space<hbm>>
      tpu.enqueue_dma source(%dma_start3A_117 : memref<32x256xf32, #tpu.memory_space<hbm>>) target(%arg11 : memref<32x256xf32, #tpu.memory_space<vmem>>) target_semaphore(%run_scoped3A : memref<!tpu.dma_semaphore, #tpu.memory_space<semaphore_mem>>)
      %dma_wait3A_118 = arith.constant 0 : i32
      %dma_wait3A_119 = tpu.memref_slice %arg3[%mul3A_2, %dma_wait3A_118] : memref<1024x256xf32, #tpu.memory_space<hbm>> -> memref<32x256xf32, #tpu.memory_space<hbm>>
      %dma_wait3A_120 = arith.constant 0 : i32
      %dma_wait3A_121 = tpu.memref_slice %arg3[%mul3A_2, %dma_wait3A_120] : memref<1024x256xf32, #tpu.memory_space<hbm>> -> memref<32x256xf32, #tpu.memory_space<hbm>>
      tpu.wait_dma2 semaphore(%run_scoped3A : memref<!tpu.dma_semaphore, #tpu.memory_space<semaphore_mem>>) src(%dma_wait3A_121 : memref<32x256xf32, #tpu.memory_space<hbm>>) dst(%arg11 : memref<32x256xf32, #tpu.memory_space<vmem>>)
      tpu.yield
    }) : () -> ()
    %get3A = arith.constant 0 : i32
    %get3A_3 = arith.index_cast %get3A : i32 to index
    %get3A_4 = arith.constant 0 : index
    %get3A_5 = tpu.vector_load %arg14[%get3A_3, %get3A_4] {strides = array<i32>} : memref<4x16xf32, #tpu.memory_space<vmem>>, vector<16xf32>,
    %get3A_6 = arith.constant 1 : i32
    %get3A_7 = arith.index_cast %get3A_6 : i32 to index
    %get3A_8 = arith.constant 0 : index
    %get3A_9 = tpu.vector_load %arg14[%get3A_7, %get3A_8] {strides = array<i32>} : memref<4x16xf32, #tpu.memory_space<vmem>>, vector<16xf32>,
    %get3A_10 = arith.constant 2 : i32
    %get3A_11 = arith.index_cast %get3A_10 : i32 to index
    %get3A_12 = arith.constant 0 : index
    %get3A_13 = tpu.vector_load %arg14[%get3A_11, %get3A_12] {strides = array<i32>} : memref<4x16xf32, #tpu.memory_space<vmem>>, vector<16xf32>,
    %get3A_14 = arith.constant 3 : i32
    %get3A_15 = arith.index_cast %get3A_14 : i32 to index
    %get3A_16 = arith.constant 0 : index
    %get3A_17 = tpu.vector_load %arg14[%get3A_15, %get3A_16] {strides = array<i32>} : memref<4x16xf32, #tpu.memory_space<vmem>>, vector<16xf32>,
    %get3A_18 = arith.constant 0 : i32
    %get3A_19 = arith.index_cast %get3A_18 : i32 to index
    %get3A_20 = arith.constant 0 : index
    %get3A_21 = tpu.vector_load %arg15[%get3A_19, %get3A_20] {strides = array<i32>} : memref<4x16xf32, #tpu.memory_space<vmem>>, vector<16xf32>,
    %get3A_22 = arith.constant 1 : i32
    %get3A_23 = arith.index_cast %get3A_22 : i32 to index
    %get3A_24 = arith.constant 0 : index
    %get3A_25 = tpu.vector_load %arg15[%get3A_23, %get3A_24] {strides = array<i32>} : memref<4x16xf32, #tpu.memory_space<vmem>>, vector<16xf32>,
    %get3A_26 = arith.constant 2 : i32
    %get3A_27 = arith.index_cast %get3A_26 : i32 to index
    %get3A_28 = arith.constant 0 : index
    %get3A_29 = tpu.vector_load %arg15[%get3A_27, %get3A_28] {strides = array<i32>} : memref<4x16xf32, #tpu.memory_space<vmem>>, vector<16xf32>,
    %get3A_30 = arith.constant 3 : i32
    %get3A_31 = arith.index_cast %get3A_30 : i32 to index
    %get3A_32 = arith.constant 0 : index
    %get3A_33 = tpu.vector_load %arg15[%get3A_31, %get3A_32] {strides = array<i32>} : memref<4x16xf32, #tpu.memory_space<vmem>>, vector<16xf32>,
    %get3A_34 = arith.constant 0 : i32
    %get3A_35 = arith.index_cast %get3A_34 : i32 to index
    %get3A_36 = arith.constant 0 : index
    %get3A_37 = tpu.vector_load %arg13[%get3A_35, %get3A_36] {strides = array<i32>} : memref<2x64xf32, #tpu.memory_space<vmem>>, vector<16xf32>,
    %get3A_38 = arith.constant 0 : i32
    %get3A_39 = arith.index_cast %get3A_38 : i32 to index
    %get3A_40 = arith.constant 16 : index
    %get3A_41 = tpu.vector_load %arg13[%get3A_39, %get3A_40] {strides = array<i32>} : memref<2x64xf32, #tpu.memory_space<vmem>>, vector<16xf32>,
    %get3A_42 = arith.constant 0 : i32
    %get3A_43 = arith.index_cast %get3A_42 : i32 to index
    %get3A_44 = arith.constant 32 : index
    %get3A_45 = tpu.vector_load %arg13[%get3A_43, %get3A_44] {strides = array<i32>} : memref<2x64xf32, #tpu.memory_space<vmem>>, vector<16xf32>,
    %get3A_46 = arith.constant 0 : i32
    %get3A_47 = arith.index_cast %get3A_46 : i32 to index
    %get3A_48 = arith.constant 48 : index
    %get3A_49 = tpu.vector_load %arg13[%get3A_47, %get3A_48] {strides = array<i32>} : memref<2x64xf32, #tpu.memory_space<vmem>>, vector<16xf32>,
    %get3A_50 = arith.constant 1 : i32
    %get3A_51 = arith.index_cast %get3A_50 : i32 to index
    %get3A_52 = arith.constant 0 : index
    %get3A_53 = tpu.vector_load %arg13[%get3A_51, %get3A_52] {strides = array<i32>} : memref<2x64xf32, #tpu.memory_space<vmem>>, vector<16xf32>,
    %sub3A = arith.subf %get3A_53, %get3A_37 : vector<16xf32>
    %get3A_54 = arith.constant 1 : i32
    %get3A_55 = arith.index_cast %get3A_54 : i32 to index
    %get3A_56 = arith.constant 16 : index
    %get3A_57 = tpu.vector_load %arg13[%get3A_55, %get3A_56] {strides = array<i32>} : memref<2x64xf32, #tpu.memory_space<vmem>>, vector<16xf32>,
    %sub3A_58 = arith.subf %get3A_57, %get3A_41 : vector<16xf32>
    %get3A_59 = arith.constant 1 : i32
    %get3A_60 = arith.index_cast %get3A_59 : i32 to index
    %get3A_61 = arith.constant 32 : index
    %get3A_62 = tpu.vector_load %arg13[%get3A_60, %get3A_61] {strides = array<i32>} : memref<2x64xf32, #tpu.memory_space<vmem>>, vector<16xf32>,
    %sub3A_63 = arith.subf %get3A_62, %get3A_45 : vector<16xf32>
    %get3A_64 = arith.constant 1 : i32
    %get3A_65 = arith.index_cast %get3A_64 : i32 to index
    %get3A_66 = arith.constant 48 : index
    %get3A_67 = tpu.vector_load %arg13[%get3A_65, %get3A_66] {strides = array<i32>} : memref<2x64xf32, #tpu.memory_space<vmem>>, vector<16xf32>,
    %sub3A_68 = arith.subf %get3A_67, %get3A_49 : vector<16xf32>
    %dma_start3A = arith.constant 0 : i32
    %dma_start3A_69 = arith.constant 0 : i32
    %dma_start3A_70 = arith.constant 0 : i32
    %dma_start3A_71 = arith.constant 0 : i32
    %dma_start3A_72 = tpu.memref_slice %arg16[%dma_start3A_70, %dma_start3A_71] : memref<200x64xf32, #tpu.memory_space<vmem>> -> memref<100x64xf32, #tpu.memory_space<vmem>>
    %dma_start3A_73 = arith.constant 0 : i32
    %dma_start3A_74 = tpu.memref_slice %arg10[%dma_start3A, %dma_start3A_69, %dma_start3A_73] : memref<32x2x100xi32, #tpu.memory_space<vmem>> -> memref<1x1x100xi32, #tpu.memory_space<vmem>>
    %dma_start3A_75 = tpu.memref_squeeze %dma_start3A_74 : memref<1x1x100xi32, #tpu.memory_space<vmem>> -> memref<100xi32, #tpu.memory_space<vmem>>
    %dma_start3A_76 = arith.constant 0 : i32
    %dma_start3A_77 = arith.constant 0 : i32
    %dma_start3A_78 = tpu.memref_slice %arg4[%dma_start3A_76, %dma_start3A_77] : memref<1000000x64xf32, #tpu.memory_space<hbm>> -> memref<1000000x64xf32, #tpu.memory_space<hbm>>
    tpu.enqueue_indirect_dma source(%dma_start3A_78 : memref<1000000x64xf32, #tpu.memory_space<hbm>>) target(%dma_start3A_72 : memref<100x64xf32, #tpu.memory_space<vmem>>) offsets(%dma_start3A_75 : memref<100xi32, #tpu.memory_space<vmem>>) semaphore(%arg20 : memref<!tpu.dma_semaphore, #tpu.memory_space<semaphore_mem>>)
    %dma_start3A_79 = arith.constant 0 : i32
    %dma_start3A_80 = arith.constant 1 : i32
    %dma_start3A_81 = arith.constant 100 : i32
    %dma_start3A_82 = arith.constant 0 : i32
    %dma_start3A_83 = tpu.memref_slice %arg16[%dma_start3A_81, %dma_start3A_82] : memref<200x64xf32, #tpu.memory_space<vmem>> -> memref<100x64xf32, #tpu.memory_space<vmem>>
    %dma_start3A_84 = arith.constant 0 : i32
    %dma_start3A_85 = tpu.memref_slice %arg10[%dma_start3A_79, %dma_start3A_80, %dma_start3A_84] : memref<32x2x100xi32, #tpu.memory_space<vmem>> -> memref<1x1x100xi32, #tpu.memory_space<vmem>>
    %dma_start3A_86 = tpu.memref_squeeze %dma_start3A_85 : memref<1x1x100xi32, #tpu.memory_space<vmem>> -> memref<100xi32, #tpu.memory_space<vmem>>
    %dma_start3A_87 = arith.constant 0 : i32
    %dma_start3A_88 = arith.constant 0 : i32
    %dma_start3A_89 = tpu.memref_slice %arg4[%dma_start3A_87, %dma_start3A_88] : memref<1000000x64xf32, #tpu.memory_space<hbm>> -> memref<1000000x64xf32, #tpu.memory_space<hbm>>
    tpu.enqueue_indirect_dma source(%dma_start3A_89 : memref<1000000x64xf32, #tpu.memory_space<hbm>>) target(%dma_start3A_83 : memref<100x64xf32, #tpu.memory_space<vmem>>) offsets(%dma_start3A_86 : memref<100xi32, #tpu.memory_space<vmem>>) semaphore(%arg20 : memref<!tpu.dma_semaphore, #tpu.memory_space<semaphore_mem>>)
    %scan3A = arith.constant 0 : i32
    %scan3A_90 = arith.constant 0 : i32
    %scan3A_91 = arith.constant 16 : i32
    %scan3A_92 = arith.addi %scan3A_90, %scan3A_91 : i32
    %scan3A_93 = arith.constant 1 : i32
    scf.for %scan3A_114 = %scan3A_90 to %scan3A_92 step %scan3A_93  : i32 {
      %mul3A_115 = arith.constant 2 : i32
      %mul3A_116 = arith.muli %scan3A_114, %mul3A_115 : i32
      %add3A_117 = arith.constant 0 : i32
      %add3A_118 = arith.addi %mul3A_116, %add3A_117 : i32
      %add3A_119 = arith.constant 1 : i32
      %add3A_120 = arith.addi %add3A_118, %add3A_119 : i32
      %lt3A = arith.constant 32 : i32
      %lt3A_121 = arith.cmpi slt, %add3A_120, %lt3A : i32
      %convert_element_type3A = arith.extui %lt3A_121 : i1 to i32
      %cond3A = arith.constant 0 : i32
      %cond3A_122 = arith.cmpi ne, %convert_element_type3A, %cond3A : i32
      scf.if %cond3A_122 {
        %add3A_206 = arith.constant 1 : i32
        %add3A_207 = arith.addi %add3A_118, %add3A_206 : i32
        %dma_start3A_208 = arith.constant 0 : i32
        %dma_start3A_209 = arith.constant 0 : i32
        %dma_start3A_210 = arith.constant 0 : i32
        %dma_start3A_211 = tpu.memref_slice %arg17[%dma_start3A_209, %dma_start3A_210] : memref<200x64xf32, #tpu.memory_space<vmem>> -> memref<100x64xf32, #tpu.memory_space<vmem>>
        %dma_start3A_212 = arith.constant 0 : i32
        %dma_start3A_213 = tpu.memref_slice %arg10[%add3A_207, %dma_start3A_208, %dma_start3A_212] : memref<32x2x100xi32, #tpu.memory_space<vmem>> -> memref<1x1x100xi32, #tpu.memory_space<vmem>>
        %dma_start3A_214 = tpu.memref_squeeze %dma_start3A_213 : memref<1x1x100xi32, #tpu.memory_space<vmem>> -> memref<100xi32, #tpu.memory_space<vmem>>
        %dma_start3A_215 = arith.constant 0 : i32
        %dma_start3A_216 = arith.constant 0 : i32
        %dma_start3A_217 = tpu.memref_slice %arg4[%dma_start3A_215, %dma_start3A_216] : memref<1000000x64xf32, #tpu.memory_space<hbm>> -> memref<1000000x64xf32, #tpu.memory_space<hbm>>
        tpu.enqueue_indirect_dma source(%dma_start3A_217 : memref<1000000x64xf32, #tpu.memory_space<hbm>>) target(%dma_start3A_211 : memref<100x64xf32, #tpu.memory_space<vmem>>) offsets(%dma_start3A_214 : memref<100xi32, #tpu.memory_space<vmem>>) semaphore(%arg21 : memref<!tpu.dma_semaphore, #tpu.memory_space<semaphore_mem>>)
        %dma_start3A_218 = arith.constant 1 : i32
        %dma_start3A_219 = arith.constant 100 : i32
        %dma_start3A_220 = arith.constant 0 : i32
        %dma_start3A_221 = tpu.memref_slice %arg17[%dma_start3A_219, %dma_start3A_220] : memref<200x64xf32, #tpu.memory_space<vmem>> -> memref<100x64xf32, #tpu.memory_space<vmem>>
        %dma_start3A_222 = arith.constant 0 : i32
        %dma_start3A_223 = tpu.memref_slice %arg10[%add3A_207, %dma_start3A_218, %dma_start3A_222] : memref<32x2x100xi32, #tpu.memory_space<vmem>> -> memref<1x1x100xi32, #tpu.memory_space<vmem>>
        %dma_start3A_224 = tpu.memref_squeeze %dma_start3A_223 : memref<1x1x100xi32, #tpu.memory_space<vmem>> -> memref<100xi32, #tpu.memory_space<vmem>>
        %dma_start3A_225 = arith.constant 0 : i32
        %dma_start3A_226 = arith.constant 0 : i32
        %dma_start3A_227 = tpu.memref_slice %arg4[%dma_start3A_225, %dma_start3A_226] : memref<1000000x64xf32, #tpu.memory_space<hbm>> -> memref<1000000x64xf32, #tpu.memory_space<hbm>>
        tpu.enqueue_indirect_dma source(%dma_start3A_227 : memref<1000000x64xf32, #tpu.memory_space<hbm>>) target(%dma_start3A_221 : memref<100x64xf32, #tpu.memory_space<vmem>>) offsets(%dma_start3A_224 : memref<100xi32, #tpu.memory_space<vmem>>) semaphore(%arg21 : memref<!tpu.dma_semaphore, #tpu.memory_space<semaphore_mem>>)
      } else {
      }
      %dma_wait3A_123 = arith.constant 0 : i32
      %dma_wait3A_124 = arith.constant 0 : i32
      %dma_wait3A_125 = arith.constant 0 : i32
      %dma_wait3A_126 = tpu.memref_slice %arg16[%dma_wait3A_124, %dma_wait3A_125] : memref<200x64xf32, #tpu.memory_space<vmem>> -> memref<100x64xf32, #tpu.memory_space<vmem>>
      %dma_wait3A_127 = arith.constant 0 : i32
      %dma_wait3A_128 = tpu.memref_slice %arg10[%add3A_118, %dma_wait3A_123, %dma_wait3A_127] : memref<32x2x100xi32, #tpu.memory_space<vmem>> -> memref<1x1x100xi32, #tpu.memory_space<vmem>>
      %dma_wait3A_129 = tpu.memref_squeeze %dma_wait3A_128 : memref<1x1x100xi32, #tpu.memory_space<vmem>> -> memref<100xi32, #tpu.memory_space<vmem>>
      %dma_wait3A_130 = arith.constant 0 : i32
      %dma_wait3A_131 = arith.constant 0 : i32
      %dma_wait3A_132 = tpu.memref_slice %arg4[%dma_wait3A_130, %dma_wait3A_131] : memref<1000000x64xf32, #tpu.memory_space<hbm>> -> memref<1000000x64xf32, #tpu.memory_space<hbm>>
      tpu.wait_indirect_dma semaphore(%arg20 : memref<!tpu.dma_semaphore, #tpu.memory_space<semaphore_mem>>) src(%dma_wait3A_132 : memref<1000000x64xf32, #tpu.memory_space<hbm>>) dst(%dma_wait3A_126 : memref<100x64xf32, #tpu.memory_space<vmem>>)
      %dma_wait3A_133 = arith.constant 1 : i32
      %dma_wait3A_134 = arith.constant 100 : i32
      %dma_wait3A_135 = arith.constant 0 : i32
      %dma_wait3A_136 = tpu.memref_slice %arg16[%dma_wait3A_134, %dma_wait3A_135] : memref<200x64xf32, #tpu.memory_space<vmem>> -> memref<100x64xf32, #tpu.memory_space<vmem>>
      %dma_wait3A_137 = arith.constant 0 : i32
      %dma_wait3A_138 = tpu.memref_slice %arg10[%add3A_118, %dma_wait3A_133, %dma_wait3A_137] : memref<32x2x100xi32, #tpu.memory_space<vmem>> -> memref<1x1x100xi32, #tpu.memory_space<vmem>>
      %dma_wait3A_139 = tpu.memref_squeeze %dma_wait3A_138 : memref<1x1x100xi32, #tpu.memory_space<vmem>> -> memref<100xi32, #tpu.memory_space<vmem>>
      %dma_wait3A_140 = arith.constant 0 : i32
      %dma_wait3A_141 = arith.constant 0 : i32
      %dma_wait3A_142 = tpu.memref_slice %arg4[%dma_wait3A_140, %dma_wait3A_141] : memref<1000000x64xf32, #tpu.memory_space<hbm>> -> memref<1000000x64xf32, #tpu.memory_space<hbm>>
      tpu.wait_indirect_dma semaphore(%arg20 : memref<!tpu.dma_semaphore, #tpu.memory_space<semaphore_mem>>) src(%dma_wait3A_142 : memref<1000000x64xf32, #tpu.memory_space<hbm>>) dst(%dma_wait3A_136 : memref<100x64xf32, #tpu.memory_space<vmem>>)
      %ge3A = arith.constant 2 : i32
      %ge3A_143 = arith.cmpi sge, %add3A_118, %ge3A : i32
      %convert_element_type3A_144 = arith.extui %ge3A_143 : i1 to i32
      %cond3A_145 = arith.constant 0 : i32
      %cond3A_146 = arith.cmpi ne, %convert_element_type3A_144, %cond3A_145 : i32
      scf.if %cond3A_146 {
        %sub3A_206 = arith.constant 2 : i32
        %sub3A_207 = arith.subi %add3A_118, %sub3A_206 : i32
        %add3A_208 = arith.addi %mul3A_2, %sub3A_207 : i32
        %dma_wait3A_209 = arith.constant 0 : i32
        %dma_wait3A_210 = arith.constant 0 : i32
        %dma_wait3A_211 = tpu.memref_slice %arg9[%add3A_208, %dma_wait3A_209, %dma_wait3A_210] : memref<1024x200x64xf32, #tpu.memory_space<hbm>> -> memref<1x200x64xf32, #tpu.memory_space<hbm>>
        %dma_wait3A_212 = tpu.memref_squeeze %dma_wait3A_211 : memref<1x200x64xf32, #tpu.memory_space<hbm>> -> memref<200x64xf32, #tpu.memory_space<hbm>>
        %dma_wait3A_213 = arith.constant 0 : i32
        %dma_wait3A_214 = arith.constant 0 : i32
        %dma_wait3A_215 = tpu.memref_slice %arg9[%add3A_208, %dma_wait3A_213, %dma_wait3A_214] : memref<1024x200x64xf32, #tpu.memory_space<hbm>> -> memref<1x200x64xf32, #tpu.memory_space<hbm>>
        %dma_wait3A_216 = tpu.memref_squeeze %dma_wait3A_215 : memref<1x200x64xf32, #tpu.memory_space<hbm>> -> memref<200x64xf32, #tpu.memory_space<hbm>>
        tpu.wait_dma2 semaphore(%arg22 : memref<!tpu.dma_semaphore, #tpu.memory_space<semaphore_mem>>) src(%arg18 : memref<200x64xf32, #tpu.memory_space<vmem>>) dst(%dma_wait3A_216 : memref<200x64xf32, #tpu.memory_space<hbm>>)
      } else {
      }
      %parallel_loop3A = arith.constant 0 : i32
      %parallel_loop3A_147 = arith.constant 200 : i32
      %parallel_loop3A_148 = arith.constant 1 : i32
      scf.for %parallel_loop3A_206 = %parallel_loop3A to %parallel_loop3A_147 step %parallel_loop3A_148  : i32 {
        %parallel_loop3A_207 = vector.broadcast %add3A_118 : i32 to vector<16xi32>
        %parallel_loop3A_208 = vector.broadcast %parallel_loop3A_206 : i32 to vector<16xi32>
        %parallel_loop3A_209 = tpu.vector_load_idx %arg11[%parallel_loop3A_207, %parallel_loop3A_208] : memref<32x256xf32, #tpu.memory_space<vmem>>[vector<16xi32>, vector<16xi32>], vector<16xf32>,
        %parallel_loop3A_210 = arith.index_cast %parallel_loop3A_206 : i32 to index
        %parallel_loop3A_211 = arith.constant 0 : index
        %parallel_loop3A_212 = tpu.vector_load %arg16[%parallel_loop3A_210, %parallel_loop3A_211] {strides = array<i32>} : memref<200x64xf32, #tpu.memory_space<vmem>>, vector<16xf32>,
        %parallel_loop3A_213 = arith.index_cast %parallel_loop3A_206 : i32 to index
        %parallel_loop3A_214 = arith.constant 0 : index
        %parallel_loop3A_215 = tpu.vector_load %arg12[%parallel_loop3A_213, %parallel_loop3A_214] {strides = array<i32>} : memref<200x64xf32, #tpu.memory_space<vmem>>, vector<16xf32>,
        %parallel_loop3A_216 = arith.addf %parallel_loop3A_212, %parallel_loop3A_215 : vector<16xf32>
        %parallel_loop3A_217 = arith.mulf %parallel_loop3A_209, %sub3A : vector<16xf32>
        %parallel_loop3A_218 = arith.addf %parallel_loop3A_217, %get3A_37 : vector<16xf32>
        %parallel_loop3A_219 = arith.addf %parallel_loop3A_216, %parallel_loop3A_218 : vector<16xf32>
        %parallel_loop3A_220 = arith.index_cast %parallel_loop3A_206 : i32 to index
        %parallel_loop3A_221 = arith.constant 16 : index
        %parallel_loop3A_222 = tpu.vector_load %arg16[%parallel_loop3A_220, %parallel_loop3A_221] {strides = array<i32>} : memref<200x64xf32, #tpu.memory_space<vmem>>, vector<16xf32>,
        %parallel_loop3A_223 = arith.index_cast %parallel_loop3A_206 : i32 to index
        %parallel_loop3A_224 = arith.constant 16 : index
        %parallel_loop3A_225 = tpu.vector_load %arg12[%parallel_loop3A_223, %parallel_loop3A_224] {strides = array<i32>} : memref<200x64xf32, #tpu.memory_space<vmem>>, vector<16xf32>,
        %parallel_loop3A_226 = arith.addf %parallel_loop3A_222, %parallel_loop3A_225 : vector<16xf32>
        %parallel_loop3A_227 = arith.mulf %parallel_loop3A_209, %sub3A_58 : vector<16xf32>
        %parallel_loop3A_228 = arith.addf %parallel_loop3A_227, %get3A_41 : vector<16xf32>
        %parallel_loop3A_229 = arith.addf %parallel_loop3A_226, %parallel_loop3A_228 : vector<16xf32>
        %parallel_loop3A_230 = arith.index_cast %parallel_loop3A_206 : i32 to index
        %parallel_loop3A_231 = arith.constant 32 : index
        %parallel_loop3A_232 = tpu.vector_load %arg16[%parallel_loop3A_230, %parallel_loop3A_231] {strides = array<i32>} : memref<200x64xf32, #tpu.memory_space<vmem>>, vector<16xf32>,
        %parallel_loop3A_233 = arith.index_cast %parallel_loop3A_206 : i32 to index
        %parallel_loop3A_234 = arith.constant 32 : index
        %parallel_loop3A_235 = tpu.vector_load %arg12[%parallel_loop3A_233, %parallel_loop3A_234] {strides = array<i32>} : memref<200x64xf32, #tpu.memory_space<vmem>>, vector<16xf32>,
        %parallel_loop3A_236 = arith.addf %parallel_loop3A_232, %parallel_loop3A_235 : vector<16xf32>
        %parallel_loop3A_237 = arith.mulf %parallel_loop3A_209, %sub3A_63 : vector<16xf32>
        %parallel_loop3A_238 = arith.addf %parallel_loop3A_237, %get3A_45 : vector<16xf32>
        %parallel_loop3A_239 = arith.addf %parallel_loop3A_236, %parallel_loop3A_238 : vector<16xf32>
        %parallel_loop3A_240 = arith.index_cast %parallel_loop3A_206 : i32 to index
        %parallel_loop3A_241 = arith.constant 48 : index
        %parallel_loop3A_242 = tpu.vector_load %arg16[%parallel_loop3A_240, %parallel_loop3A_241] {strides = array<i32>} : memref<200x64xf32, #tpu.memory_space<vmem>>, vector<16xf32>,
        %parallel_loop3A_243 = arith.index_cast %parallel_loop3A_206 : i32 to index
        %parallel_loop3A_244 = arith.constant 48 : index
        %parallel_loop3A_245 = tpu.vector_load %arg12[%parallel_loop3A_243, %parallel_loop3A_244] {strides = array<i32>} : memref<200x64xf32, #tpu.memory_space<vmem>>, vector<16xf32>,
        %parallel_loop3A_246 = arith.addf %parallel_loop3A_242, %parallel_loop3A_245 : vector<16xf32>
        %parallel_loop3A_247 = arith.mulf %parallel_loop3A_209, %sub3A_68 : vector<16xf32>
        %parallel_loop3A_248 = arith.addf %parallel_loop3A_247, %get3A_49 : vector<16xf32>
        %parallel_loop3A_249 = arith.addf %parallel_loop3A_246, %parallel_loop3A_248 : vector<16xf32>
        %parallel_loop3A_250 = arith.addf %parallel_loop3A_219, %parallel_loop3A_229 : vector<16xf32>
        %parallel_loop3A_251 = arith.addf %parallel_loop3A_239, %parallel_loop3A_249 : vector<16xf32>
        %parallel_loop3A_252 = arith.addf %parallel_loop3A_250, %parallel_loop3A_251 : vector<16xf32>
        %parallel_loop3A_253 = arith.mulf %parallel_loop3A_219, %parallel_loop3A_219 : vector<16xf32>
        %parallel_loop3A_254 = arith.mulf %parallel_loop3A_229, %parallel_loop3A_229 : vector<16xf32>
        %parallel_loop3A_255 = arith.addf %parallel_loop3A_253, %parallel_loop3A_254 : vector<16xf32>
        %parallel_loop3A_256 = arith.mulf %parallel_loop3A_239, %parallel_loop3A_239 : vector<16xf32>
        %parallel_loop3A_257 = arith.mulf %parallel_loop3A_249, %parallel_loop3A_249 : vector<16xf32>
        %parallel_loop3A_258 = arith.addf %parallel_loop3A_256, %parallel_loop3A_257 : vector<16xf32>
        %parallel_loop3A_259 = arith.addf %parallel_loop3A_255, %parallel_loop3A_258 : vector<16xf32>
        %parallel_loop3A_260 = arith.constant true
        %parallel_loop3A_261 = vector.broadcast %parallel_loop3A_260 : i1 to vector<16xi1>
        %parallel_loop3A_262 = tpu.scan <sum>, %parallel_loop3A_252 masked %parallel_loop3A_261 : vector<16xf32>, vector<16xi1> -> vector<16xf32>
        %parallel_loop3A_263 = vector.extract %parallel_loop3A_262[15] : f32 from vector<16xf32>
        %parallel_loop3A_264 = vector.broadcast %parallel_loop3A_263 : f32 to vector<16xf32>
        %parallel_loop3A_265 = arith.constant 1.562500e-02 : f32
        %parallel_loop3A_266 = vector.broadcast %parallel_loop3A_265 : f32 to vector<16xf32>
        %parallel_loop3A_267 = arith.mulf %parallel_loop3A_264, %parallel_loop3A_266 : vector<16xf32>
        %parallel_loop3A_268 = arith.constant true
        %parallel_loop3A_269 = vector.broadcast %parallel_loop3A_268 : i1 to vector<16xi1>
        %parallel_loop3A_270 = tpu.scan <sum>, %parallel_loop3A_259 masked %parallel_loop3A_269 : vector<16xf32>, vector<16xi1> -> vector<16xf32>
        %parallel_loop3A_271 = vector.extract %parallel_loop3A_270[15] : f32 from vector<16xf32>
        %parallel_loop3A_272 = vector.broadcast %parallel_loop3A_271 : f32 to vector<16xf32>
        %parallel_loop3A_273 = arith.constant 1.562500e-02 : f32
        %parallel_loop3A_274 = vector.broadcast %parallel_loop3A_273 : f32 to vector<16xf32>
        %parallel_loop3A_275 = arith.mulf %parallel_loop3A_272, %parallel_loop3A_274 : vector<16xf32>
        %parallel_loop3A_276 = arith.mulf %parallel_loop3A_267, %parallel_loop3A_267 : vector<16xf32>
        %parallel_loop3A_277 = arith.subf %parallel_loop3A_275, %parallel_loop3A_276 : vector<16xf32>
        %parallel_loop3A_278 = arith.constant 9.99999974E-6 : f32
        %parallel_loop3A_279 = vector.broadcast %parallel_loop3A_278 : f32 to vector<16xf32>
        %parallel_loop3A_280 = arith.addf %parallel_loop3A_277, %parallel_loop3A_279 : vector<16xf32>
        %parallel_loop3A_281 = vector.bitcast %parallel_loop3A_280 : vector<16xf32> to vector<16xi32>
        %parallel_loop3A_282 = arith.constant 1597463007 : i32
        %parallel_loop3A_283 = vector.broadcast %parallel_loop3A_282 : i32 to vector<16xi32>
        %parallel_loop3A_284 = arith.constant 1 : i32
        %parallel_loop3A_285 = vector.broadcast %parallel_loop3A_284 : i32 to vector<16xi32>
        %parallel_loop3A_286 = arith.shrui %parallel_loop3A_281, %parallel_loop3A_285 : vector<16xi32>
        %parallel_loop3A_287 = arith.subi %parallel_loop3A_283, %parallel_loop3A_286 : vector<16xi32>
        %parallel_loop3A_288 = vector.bitcast %parallel_loop3A_287 : vector<16xi32> to vector<16xf32>
        %parallel_loop3A_289 = arith.constant 5.000000e-01 : f32
        %parallel_loop3A_290 = vector.broadcast %parallel_loop3A_289 : f32 to vector<16xf32>
        %parallel_loop3A_291 = arith.mulf %parallel_loop3A_290, %parallel_loop3A_280 : vector<16xf32>
        %parallel_loop3A_292 = arith.mulf %parallel_loop3A_291, %parallel_loop3A_288 : vector<16xf32>
        %parallel_loop3A_293 = arith.mulf %parallel_loop3A_292, %parallel_loop3A_288 : vector<16xf32>
        %parallel_loop3A_294 = arith.constant 1.500000e+00 : f32
        %parallel_loop3A_295 = vector.broadcast %parallel_loop3A_294 : f32 to vector<16xf32>
        %parallel_loop3A_296 = arith.subf %parallel_loop3A_295, %parallel_loop3A_293 : vector<16xf32>
        %parallel_loop3A_297 = arith.mulf %parallel_loop3A_288, %parallel_loop3A_296 : vector<16xf32>
        %parallel_loop3A_298 = arith.constant 5.000000e-01 : f32
        %parallel_loop3A_299 = vector.broadcast %parallel_loop3A_298 : f32 to vector<16xf32>
        %parallel_loop3A_300 = arith.mulf %parallel_loop3A_299, %parallel_loop3A_280 : vector<16xf32>
        %parallel_loop3A_301 = arith.mulf %parallel_loop3A_300, %parallel_loop3A_297 : vector<16xf32>
        %parallel_loop3A_302 = arith.mulf %parallel_loop3A_301, %parallel_loop3A_297 : vector<16xf32>
        %parallel_loop3A_303 = arith.constant 1.500000e+00 : f32
        %parallel_loop3A_304 = vector.broadcast %parallel_loop3A_303 : f32 to vector<16xf32>
        %parallel_loop3A_305 = arith.subf %parallel_loop3A_304, %parallel_loop3A_302 : vector<16xf32>
        %parallel_loop3A_306 = arith.mulf %parallel_loop3A_297, %parallel_loop3A_305 : vector<16xf32>
        %parallel_loop3A_307 = arith.constant 5.000000e-01 : f32
        %parallel_loop3A_308 = vector.broadcast %parallel_loop3A_307 : f32 to vector<16xf32>
        %parallel_loop3A_309 = arith.mulf %parallel_loop3A_308, %parallel_loop3A_280 : vector<16xf32>
        %parallel_loop3A_310 = arith.mulf %parallel_loop3A_309, %parallel_loop3A_306 : vector<16xf32>
        %parallel_loop3A_311 = arith.mulf %parallel_loop3A_310, %parallel_loop3A_306 : vector<16xf32>
        %parallel_loop3A_312 = arith.constant 1.500000e+00 : f32
        %parallel_loop3A_313 = vector.broadcast %parallel_loop3A_312 : f32 to vector<16xf32>
        %parallel_loop3A_314 = arith.subf %parallel_loop3A_313, %parallel_loop3A_311 : vector<16xf32>
        %parallel_loop3A_315 = arith.mulf %parallel_loop3A_306, %parallel_loop3A_314 : vector<16xf32>
        %parallel_loop3A_316 = arith.subf %parallel_loop3A_219, %parallel_loop3A_267 : vector<16xf32>
        %parallel_loop3A_317 = arith.mulf %parallel_loop3A_315, %get3A_5 : vector<16xf32>
        %parallel_loop3A_318 = arith.mulf %parallel_loop3A_316, %parallel_loop3A_317 : vector<16xf32>
        %parallel_loop3A_319 = arith.addf %parallel_loop3A_318, %get3A_21 : vector<16xf32>
        %parallel_loop3A_320 = arith.index_cast %parallel_loop3A_206 : i32 to index
        %parallel_loop3A_321 = arith.constant 0 : index
        %parallel_loop3A_322 = tpu.vector_load %arg18[%parallel_loop3A_320, %parallel_loop3A_321] {strides = array<i32>} : memref<200x64xf32, #tpu.memory_space<vmem>>, vector<16xf32>,
        tpu.vector_store %arg18[%parallel_loop3A_320, %parallel_loop3A_321], %parallel_loop3A_319 {strides = array<i32>} : memref<200x64xf32, #tpu.memory_space<vmem>>, vector<16xf32>,
        %parallel_loop3A_323 = arith.subf %parallel_loop3A_229, %parallel_loop3A_267 : vector<16xf32>
        %parallel_loop3A_324 = arith.mulf %parallel_loop3A_315, %get3A_9 : vector<16xf32>
        %parallel_loop3A_325 = arith.mulf %parallel_loop3A_323, %parallel_loop3A_324 : vector<16xf32>
        %parallel_loop3A_326 = arith.addf %parallel_loop3A_325, %get3A_25 : vector<16xf32>
        %parallel_loop3A_327 = arith.index_cast %parallel_loop3A_206 : i32 to index
        %parallel_loop3A_328 = arith.constant 16 : index
        %parallel_loop3A_329 = tpu.vector_load %arg18[%parallel_loop3A_327, %parallel_loop3A_328] {strides = array<i32>} : memref<200x64xf32, #tpu.memory_space<vmem>>, vector<16xf32>,
        tpu.vector_store %arg18[%parallel_loop3A_327, %parallel_loop3A_328], %parallel_loop3A_326 {strides = array<i32>} : memref<200x64xf32, #tpu.memory_space<vmem>>, vector<16xf32>,
        %parallel_loop3A_330 = arith.subf %parallel_loop3A_239, %parallel_loop3A_267 : vector<16xf32>
        %parallel_loop3A_331 = arith.mulf %parallel_loop3A_315, %get3A_13 : vector<16xf32>
        %parallel_loop3A_332 = arith.mulf %parallel_loop3A_330, %parallel_loop3A_331 : vector<16xf32>
        %parallel_loop3A_333 = arith.addf %parallel_loop3A_332, %get3A_29 : vector<16xf32>
        %parallel_loop3A_334 = arith.index_cast %parallel_loop3A_206 : i32 to index
        %parallel_loop3A_335 = arith.constant 32 : index
        %parallel_loop3A_336 = tpu.vector_load %arg18[%parallel_loop3A_334, %parallel_loop3A_335] {strides = array<i32>} : memref<200x64xf32, #tpu.memory_space<vmem>>, vector<16xf32>,
        tpu.vector_store %arg18[%parallel_loop3A_334, %parallel_loop3A_335], %parallel_loop3A_333 {strides = array<i32>} : memref<200x64xf32, #tpu.memory_space<vmem>>, vector<16xf32>,
        %parallel_loop3A_337 = arith.subf %parallel_loop3A_249, %parallel_loop3A_267 : vector<16xf32>
        %parallel_loop3A_338 = arith.mulf %parallel_loop3A_315, %get3A_17 : vector<16xf32>
        %parallel_loop3A_339 = arith.mulf %parallel_loop3A_337, %parallel_loop3A_338 : vector<16xf32>
        %parallel_loop3A_340 = arith.addf %parallel_loop3A_339, %get3A_33 : vector<16xf32>
        %parallel_loop3A_341 = arith.index_cast %parallel_loop3A_206 : i32 to index
        %parallel_loop3A_342 = arith.constant 48 : index
        %parallel_loop3A_343 = tpu.vector_load %arg18[%parallel_loop3A_341, %parallel_loop3A_342] {strides = array<i32>} : memref<200x64xf32, #tpu.memory_space<vmem>>, vector<16xf32>,
        tpu.vector_store %arg18[%parallel_loop3A_341, %parallel_loop3A_342], %parallel_loop3A_340 {strides = array<i32>} : memref<200x64xf32, #tpu.memory_space<vmem>>, vector<16xf32>,
      } {sc.loop_unroll_factor = 2 : i64, sc.parallel_access}
      %add3A_149 = arith.addi %mul3A_2, %add3A_118 : i32
      %dma_start3A_150 = arith.constant 0 : i32
      %dma_start3A_151 = arith.constant 0 : i32
      %dma_start3A_152 = tpu.memref_slice %arg9[%add3A_149, %dma_start3A_150, %dma_start3A_151] : memref<1024x200x64xf32, #tpu.memory_space<hbm>> -> memref<1x200x64xf32, #tpu.memory_space<hbm>>
      %dma_start3A_153 = tpu.memref_squeeze %dma_start3A_152 : memref<1x200x64xf32, #tpu.memory_space<hbm>> -> memref<200x64xf32, #tpu.memory_space<hbm>>
      %dma_start3A_154 = arith.constant 0 : i32
      %dma_start3A_155 = arith.constant 0 : i32
      %dma_start3A_156 = tpu.memref_slice %arg9[%add3A_149, %dma_start3A_154, %dma_start3A_155] : memref<1024x200x64xf32, #tpu.memory_space<hbm>> -> memref<1x200x64xf32, #tpu.memory_space<hbm>>
      %dma_start3A_157 = tpu.memref_squeeze %dma_start3A_156 : memref<1x200x64xf32, #tpu.memory_space<hbm>> -> memref<200x64xf32, #tpu.memory_space<hbm>>
      tpu.enqueue_dma source(%arg18 : memref<200x64xf32, #tpu.memory_space<vmem>>) target(%dma_start3A_157 : memref<200x64xf32, #tpu.memory_space<hbm>>) target_semaphore(%arg22 : memref<!tpu.dma_semaphore, #tpu.memory_space<semaphore_mem>>)
      %mul3A_158 = arith.constant 2 : i32
      %mul3A_159 = arith.muli %scan3A_114, %mul3A_158 : i32
      %add3A_160 = arith.constant 1 : i32
      %add3A_161 = arith.addi %mul3A_159, %add3A_160 : i32
      %add3A_162 = arith.constant 1 : i32
      %add3A_163 = arith.addi %add3A_161, %add3A_162 : i32
      %lt3A_164 = arith.constant 32 : i32
      %lt3A_165 = arith.cmpi slt, %add3A_163, %lt3A_164 : i32
      %convert_element_type3A_166 = arith.extui %lt3A_165 : i1 to i32
      %cond3A_167 = arith.constant 0 : i32
      %cond3A_168 = arith.cmpi ne, %convert_element_type3A_166, %cond3A_167 : i32
      scf.if %cond3A_168 {
        %add3A_206 = arith.constant 1 : i32
        %add3A_207 = arith.addi %add3A_161, %add3A_206 : i32
        %dma_start3A_208 = arith.constant 0 : i32
        %dma_start3A_209 = arith.constant 0 : i32
        %dma_start3A_210 = arith.constant 0 : i32
        %dma_start3A_211 = tpu.memref_slice %arg16[%dma_start3A_209, %dma_start3A_210] : memref<200x64xf32, #tpu.memory_space<vmem>> -> memref<100x64xf32, #tpu.memory_space<vmem>>
        %dma_start3A_212 = arith.constant 0 : i32
        %dma_start3A_213 = tpu.memref_slice %arg10[%add3A_207, %dma_start3A_208, %dma_start3A_212] : memref<32x2x100xi32, #tpu.memory_space<vmem>> -> memref<1x1x100xi32, #tpu.memory_space<vmem>>
        %dma_start3A_214 = tpu.memref_squeeze %dma_start3A_213 : memref<1x1x100xi32, #tpu.memory_space<vmem>> -> memref<100xi32, #tpu.memory_space<vmem>>
        %dma_start3A_215 = arith.constant 0 : i32
        %dma_start3A_216 = arith.constant 0 : i32
        %dma_start3A_217 = tpu.memref_slice %arg4[%dma_start3A_215, %dma_start3A_216] : memref<1000000x64xf32, #tpu.memory_space<hbm>> -> memref<1000000x64xf32, #tpu.memory_space<hbm>>
        tpu.enqueue_indirect_dma source(%dma_start3A_217 : memref<1000000x64xf32, #tpu.memory_space<hbm>>) target(%dma_start3A_211 : memref<100x64xf32, #tpu.memory_space<vmem>>) offsets(%dma_start3A_214 : memref<100xi32, #tpu.memory_space<vmem>>) semaphore(%arg20 : memref<!tpu.dma_semaphore, #tpu.memory_space<semaphore_mem>>)
        %dma_start3A_218 = arith.constant 1 : i32
        %dma_start3A_219 = arith.constant 100 : i32
        %dma_start3A_220 = arith.constant 0 : i32
        %dma_start3A_221 = tpu.memref_slice %arg16[%dma_start3A_219, %dma_start3A_220] : memref<200x64xf32, #tpu.memory_space<vmem>> -> memref<100x64xf32, #tpu.memory_space<vmem>>
        %dma_start3A_222 = arith.constant 0 : i32
        %dma_start3A_223 = tpu.memref_slice %arg10[%add3A_207, %dma_start3A_218, %dma_start3A_222] : memref<32x2x100xi32, #tpu.memory_space<vmem>> -> memref<1x1x100xi32, #tpu.memory_space<vmem>>
        %dma_start3A_224 = tpu.memref_squeeze %dma_start3A_223 : memref<1x1x100xi32, #tpu.memory_space<vmem>> -> memref<100xi32, #tpu.memory_space<vmem>>
        %dma_start3A_225 = arith.constant 0 : i32
        %dma_start3A_226 = arith.constant 0 : i32
        %dma_start3A_227 = tpu.memref_slice %arg4[%dma_start3A_225, %dma_start3A_226] : memref<1000000x64xf32, #tpu.memory_space<hbm>> -> memref<1000000x64xf32, #tpu.memory_space<hbm>>
        tpu.enqueue_indirect_dma source(%dma_start3A_227 : memref<1000000x64xf32, #tpu.memory_space<hbm>>) target(%dma_start3A_221 : memref<100x64xf32, #tpu.memory_space<vmem>>) offsets(%dma_start3A_224 : memref<100xi32, #tpu.memory_space<vmem>>) semaphore(%arg20 : memref<!tpu.dma_semaphore, #tpu.memory_space<semaphore_mem>>)
      } else {
      }
      %dma_wait3A_169 = arith.constant 0 : i32
      %dma_wait3A_170 = arith.constant 0 : i32
      %dma_wait3A_171 = arith.constant 0 : i32
      %dma_wait3A_172 = tpu.memref_slice %arg17[%dma_wait3A_170, %dma_wait3A_171] : memref<200x64xf32, #tpu.memory_space<vmem>> -> memref<100x64xf32, #tpu.memory_space<vmem>>
      %dma_wait3A_173 = arith.constant 0 : i32
      %dma_wait3A_174 = tpu.memref_slice %arg10[%add3A_161, %dma_wait3A_169, %dma_wait3A_173] : memref<32x2x100xi32, #tpu.memory_space<vmem>> -> memref<1x1x100xi32, #tpu.memory_space<vmem>>
      %dma_wait3A_175 = tpu.memref_squeeze %dma_wait3A_174 : memref<1x1x100xi32, #tpu.memory_space<vmem>> -> memref<100xi32, #tpu.memory_space<vmem>>
      %dma_wait3A_176 = arith.constant 0 : i32
      %dma_wait3A_177 = arith.constant 0 : i32
      %dma_wait3A_178 = tpu.memref_slice %arg4[%dma_wait3A_176, %dma_wait3A_177] : memref<1000000x64xf32, #tpu.memory_space<hbm>> -> memref<1000000x64xf32, #tpu.memory_space<hbm>>
      tpu.wait_indirect_dma semaphore(%arg21 : memref<!tpu.dma_semaphore, #tpu.memory_space<semaphore_mem>>) src(%dma_wait3A_178 : memref<1000000x64xf32, #tpu.memory_space<hbm>>) dst(%dma_wait3A_172 : memref<100x64xf32, #tpu.memory_space<vmem>>)
      %dma_wait3A_179 = arith.constant 1 : i32
      %dma_wait3A_180 = arith.constant 100 : i32
      %dma_wait3A_181 = arith.constant 0 : i32
      %dma_wait3A_182 = tpu.memref_slice %arg17[%dma_wait3A_180, %dma_wait3A_181] : memref<200x64xf32, #tpu.memory_space<vmem>> -> memref<100x64xf32, #tpu.memory_space<vmem>>
      %dma_wait3A_183 = arith.constant 0 : i32
      %dma_wait3A_184 = tpu.memref_slice %arg10[%add3A_161, %dma_wait3A_179, %dma_wait3A_183] : memref<32x2x100xi32, #tpu.memory_space<vmem>> -> memref<1x1x100xi32, #tpu.memory_space<vmem>>
      %dma_wait3A_185 = tpu.memref_squeeze %dma_wait3A_184 : memref<1x1x100xi32, #tpu.memory_space<vmem>> -> memref<100xi32, #tpu.memory_space<vmem>>
      %dma_wait3A_186 = arith.constant 0 : i32
      %dma_wait3A_187 = arith.constant 0 : i32
      %dma_wait3A_188 = tpu.memref_slice %arg4[%dma_wait3A_186, %dma_wait3A_187] : memref<1000000x64xf32, #tpu.memory_space<hbm>> -> memref<1000000x64xf32, #tpu.memory_space<hbm>>
      tpu.wait_indirect_dma semaphore(%arg21 : memref<!tpu.dma_semaphore, #tpu.memory_space<semaphore_mem>>) src(%dma_wait3A_188 : memref<1000000x64xf32, #tpu.memory_space<hbm>>) dst(%dma_wait3A_182 : memref<100x64xf32, #tpu.memory_space<vmem>>)
      %ge3A_189 = arith.constant 2 : i32
      %ge3A_190 = arith.cmpi sge, %add3A_161, %ge3A_189 : i32
      %convert_element_type3A_191 = arith.extui %ge3A_190 : i1 to i32
      %cond3A_192 = arith.constant 0 : i32
      %cond3A_193 = arith.cmpi ne, %convert_element_type3A_191, %cond3A_192 : i32
      scf.if %cond3A_193 {
        %sub3A_206 = arith.constant 2 : i32
        %sub3A_207 = arith.subi %add3A_161, %sub3A_206 : i32
        %add3A_208 = arith.addi %mul3A_2, %sub3A_207 : i32
        %dma_wait3A_209 = arith.constant 0 : i32
        %dma_wait3A_210 = arith.constant 0 : i32
        %dma_wait3A_211 = tpu.memref_slice %arg9[%add3A_208, %dma_wait3A_209, %dma_wait3A_210] : memref<1024x200x64xf32, #tpu.memory_space<hbm>> -> memref<1x200x64xf32, #tpu.memory_space<hbm>>
        %dma_wait3A_212 = tpu.memref_squeeze %dma_wait3A_211 : memref<1x200x64xf32, #tpu.memory_space<hbm>> -> memref<200x64xf32, #tpu.memory_space<hbm>>
        %dma_wait3A_213 = arith.constant 0 : i32
        %dma_wait3A_214 = arith.constant 0 : i32
        %dma_wait3A_215 = tpu.memref_slice %arg9[%add3A_208, %dma_wait3A_213, %dma_wait3A_214] : memref<1024x200x64xf32, #tpu.memory_space<hbm>> -> memref<1x200x64xf32, #tpu.memory_space<hbm>>
        %dma_wait3A_216 = tpu.memref_squeeze %dma_wait3A_215 : memref<1x200x64xf32, #tpu.memory_space<hbm>> -> memref<200x64xf32, #tpu.memory_space<hbm>>
        tpu.wait_dma2 semaphore(%arg23 : memref<!tpu.dma_semaphore, #tpu.memory_space<semaphore_mem>>) src(%arg19 : memref<200x64xf32, #tpu.memory_space<vmem>>) dst(%dma_wait3A_216 : memref<200x64xf32, #tpu.memory_space<hbm>>)
      } else {
      }
      %parallel_loop3A_194 = arith.constant 0 : i32
      %parallel_loop3A_195 = arith.constant 200 : i32
      %parallel_loop3A_196 = arith.constant 1 : i32
      scf.for %parallel_loop3A_206 = %parallel_loop3A_194 to %parallel_loop3A_195 step %parallel_loop3A_196  : i32 {
        %parallel_loop3A_207 = vector.broadcast %add3A_161 : i32 to vector<16xi32>
        %parallel_loop3A_208 = vector.broadcast %parallel_loop3A_206 : i32 to vector<16xi32>
        %parallel_loop3A_209 = tpu.vector_load_idx %arg11[%parallel_loop3A_207, %parallel_loop3A_208] : memref<32x256xf32, #tpu.memory_space<vmem>>[vector<16xi32>, vector<16xi32>], vector<16xf32>,
        %parallel_loop3A_210 = arith.index_cast %parallel_loop3A_206 : i32 to index
        %parallel_loop3A_211 = arith.constant 0 : index
        %parallel_loop3A_212 = tpu.vector_load %arg17[%parallel_loop3A_210, %parallel_loop3A_211] {strides = array<i32>} : memref<200x64xf32, #tpu.memory_space<vmem>>, vector<16xf32>,
        %parallel_loop3A_213 = arith.index_cast %parallel_loop3A_206 : i32 to index
        %parallel_loop3A_214 = arith.constant 0 : index
        %parallel_loop3A_215 = tpu.vector_load %arg12[%parallel_loop3A_213, %parallel_loop3A_214] {strides = array<i32>} : memref<200x64xf32, #tpu.memory_space<vmem>>, vector<16xf32>,
        %parallel_loop3A_216 = arith.addf %parallel_loop3A_212, %parallel_loop3A_215 : vector<16xf32>
        %parallel_loop3A_217 = arith.mulf %parallel_loop3A_209, %sub3A : vector<16xf32>
        %parallel_loop3A_218 = arith.addf %parallel_loop3A_217, %get3A_37 : vector<16xf32>
        %parallel_loop3A_219 = arith.addf %parallel_loop3A_216, %parallel_loop3A_218 : vector<16xf32>
        %parallel_loop3A_220 = arith.index_cast %parallel_loop3A_206 : i32 to index
        %parallel_loop3A_221 = arith.constant 16 : index
        %parallel_loop3A_222 = tpu.vector_load %arg17[%parallel_loop3A_220, %parallel_loop3A_221] {strides = array<i32>} : memref<200x64xf32, #tpu.memory_space<vmem>>, vector<16xf32>,
        %parallel_loop3A_223 = arith.index_cast %parallel_loop3A_206 : i32 to index
        %parallel_loop3A_224 = arith.constant 16 : index
        %parallel_loop3A_225 = tpu.vector_load %arg12[%parallel_loop3A_223, %parallel_loop3A_224] {strides = array<i32>} : memref<200x64xf32, #tpu.memory_space<vmem>>, vector<16xf32>,
        %parallel_loop3A_226 = arith.addf %parallel_loop3A_222, %parallel_loop3A_225 : vector<16xf32>
        %parallel_loop3A_227 = arith.mulf %parallel_loop3A_209, %sub3A_58 : vector<16xf32>
        %parallel_loop3A_228 = arith.addf %parallel_loop3A_227, %get3A_41 : vector<16xf32>
        %parallel_loop3A_229 = arith.addf %parallel_loop3A_226, %parallel_loop3A_228 : vector<16xf32>
        %parallel_loop3A_230 = arith.index_cast %parallel_loop3A_206 : i32 to index
        %parallel_loop3A_231 = arith.constant 32 : index
        %parallel_loop3A_232 = tpu.vector_load %arg17[%parallel_loop3A_230, %parallel_loop3A_231] {strides = array<i32>} : memref<200x64xf32, #tpu.memory_space<vmem>>, vector<16xf32>,
        %parallel_loop3A_233 = arith.index_cast %parallel_loop3A_206 : i32 to index
        %parallel_loop3A_234 = arith.constant 32 : index
        %parallel_loop3A_235 = tpu.vector_load %arg12[%parallel_loop3A_233, %parallel_loop3A_234] {strides = array<i32>} : memref<200x64xf32, #tpu.memory_space<vmem>>, vector<16xf32>,
        %parallel_loop3A_236 = arith.addf %parallel_loop3A_232, %parallel_loop3A_235 : vector<16xf32>
        %parallel_loop3A_237 = arith.mulf %parallel_loop3A_209, %sub3A_63 : vector<16xf32>
        %parallel_loop3A_238 = arith.addf %parallel_loop3A_237, %get3A_45 : vector<16xf32>
        %parallel_loop3A_239 = arith.addf %parallel_loop3A_236, %parallel_loop3A_238 : vector<16xf32>
        %parallel_loop3A_240 = arith.index_cast %parallel_loop3A_206 : i32 to index
        %parallel_loop3A_241 = arith.constant 48 : index
        %parallel_loop3A_242 = tpu.vector_load %arg17[%parallel_loop3A_240, %parallel_loop3A_241] {strides = array<i32>} : memref<200x64xf32, #tpu.memory_space<vmem>>, vector<16xf32>,
        %parallel_loop3A_243 = arith.index_cast %parallel_loop3A_206 : i32 to index
        %parallel_loop3A_244 = arith.constant 48 : index
        %parallel_loop3A_245 = tpu.vector_load %arg12[%parallel_loop3A_243, %parallel_loop3A_244] {strides = array<i32>} : memref<200x64xf32, #tpu.memory_space<vmem>>, vector<16xf32>,
        %parallel_loop3A_246 = arith.addf %parallel_loop3A_242, %parallel_loop3A_245 : vector<16xf32>
        %parallel_loop3A_247 = arith.mulf %parallel_loop3A_209, %sub3A_68 : vector<16xf32>
        %parallel_loop3A_248 = arith.addf %parallel_loop3A_247, %get3A_49 : vector<16xf32>
        %parallel_loop3A_249 = arith.addf %parallel_loop3A_246, %parallel_loop3A_248 : vector<16xf32>
        %parallel_loop3A_250 = arith.addf %parallel_loop3A_219, %parallel_loop3A_229 : vector<16xf32>
        %parallel_loop3A_251 = arith.addf %parallel_loop3A_239, %parallel_loop3A_249 : vector<16xf32>
        %parallel_loop3A_252 = arith.addf %parallel_loop3A_250, %parallel_loop3A_251 : vector<16xf32>
        %parallel_loop3A_253 = arith.mulf %parallel_loop3A_219, %parallel_loop3A_219 : vector<16xf32>
        %parallel_loop3A_254 = arith.mulf %parallel_loop3A_229, %parallel_loop3A_229 : vector<16xf32>
        %parallel_loop3A_255 = arith.addf %parallel_loop3A_253, %parallel_loop3A_254 : vector<16xf32>
        %parallel_loop3A_256 = arith.mulf %parallel_loop3A_239, %parallel_loop3A_239 : vector<16xf32>
        %parallel_loop3A_257 = arith.mulf %parallel_loop3A_249, %parallel_loop3A_249 : vector<16xf32>
        %parallel_loop3A_258 = arith.addf %parallel_loop3A_256, %parallel_loop3A_257 : vector<16xf32>
        %parallel_loop3A_259 = arith.addf %parallel_loop3A_255, %parallel_loop3A_258 : vector<16xf32>
        %parallel_loop3A_260 = arith.constant true
        %parallel_loop3A_261 = vector.broadcast %parallel_loop3A_260 : i1 to vector<16xi1>
        %parallel_loop3A_262 = tpu.scan <sum>, %parallel_loop3A_252 masked %parallel_loop3A_261 : vector<16xf32>, vector<16xi1> -> vector<16xf32>
        %parallel_loop3A_263 = vector.extract %parallel_loop3A_262[15] : f32 from vector<16xf32>
        %parallel_loop3A_264 = vector.broadcast %parallel_loop3A_263 : f32 to vector<16xf32>
        %parallel_loop3A_265 = arith.constant 1.562500e-02 : f32
        %parallel_loop3A_266 = vector.broadcast %parallel_loop3A_265 : f32 to vector<16xf32>
        %parallel_loop3A_267 = arith.mulf %parallel_loop3A_264, %parallel_loop3A_266 : vector<16xf32>
        %parallel_loop3A_268 = arith.constant true
        %parallel_loop3A_269 = vector.broadcast %parallel_loop3A_268 : i1 to vector<16xi1>
        %parallel_loop3A_270 = tpu.scan <sum>, %parallel_loop3A_259 masked %parallel_loop3A_269 : vector<16xf32>, vector<16xi1> -> vector<16xf32>
        %parallel_loop3A_271 = vector.extract %parallel_loop3A_270[15] : f32 from vector<16xf32>
        %parallel_loop3A_272 = vector.broadcast %parallel_loop3A_271 : f32 to vector<16xf32>
        %parallel_loop3A_273 = arith.constant 1.562500e-02 : f32
        %parallel_loop3A_274 = vector.broadcast %parallel_loop3A_273 : f32 to vector<16xf32>
        %parallel_loop3A_275 = arith.mulf %parallel_loop3A_272, %parallel_loop3A_274 : vector<16xf32>
        %parallel_loop3A_276 = arith.mulf %parallel_loop3A_267, %parallel_loop3A_267 : vector<16xf32>
        %parallel_loop3A_277 = arith.subf %parallel_loop3A_275, %parallel_loop3A_276 : vector<16xf32>
        %parallel_loop3A_278 = arith.constant 9.99999974E-6 : f32
        %parallel_loop3A_279 = vector.broadcast %parallel_loop3A_278 : f32 to vector<16xf32>
        %parallel_loop3A_280 = arith.addf %parallel_loop3A_277, %parallel_loop3A_279 : vector<16xf32>
        %parallel_loop3A_281 = vector.bitcast %parallel_loop3A_280 : vector<16xf32> to vector<16xi32>
        %parallel_loop3A_282 = arith.constant 1597463007 : i32
        %parallel_loop3A_283 = vector.broadcast %parallel_loop3A_282 : i32 to vector<16xi32>
        %parallel_loop3A_284 = arith.constant 1 : i32
        %parallel_loop3A_285 = vector.broadcast %parallel_loop3A_284 : i32 to vector<16xi32>
        %parallel_loop3A_286 = arith.shrui %parallel_loop3A_281, %parallel_loop3A_285 : vector<16xi32>
        %parallel_loop3A_287 = arith.subi %parallel_loop3A_283, %parallel_loop3A_286 : vector<16xi32>
        %parallel_loop3A_288 = vector.bitcast %parallel_loop3A_287 : vector<16xi32> to vector<16xf32>
        %parallel_loop3A_289 = arith.constant 5.000000e-01 : f32
        %parallel_loop3A_290 = vector.broadcast %parallel_loop3A_289 : f32 to vector<16xf32>
        %parallel_loop3A_291 = arith.mulf %parallel_loop3A_290, %parallel_loop3A_280 : vector<16xf32>
        %parallel_loop3A_292 = arith.mulf %parallel_loop3A_291, %parallel_loop3A_288 : vector<16xf32>
        %parallel_loop3A_293 = arith.mulf %parallel_loop3A_292, %parallel_loop3A_288 : vector<16xf32>
        %parallel_loop3A_294 = arith.constant 1.500000e+00 : f32
        %parallel_loop3A_295 = vector.broadcast %parallel_loop3A_294 : f32 to vector<16xf32>
        %parallel_loop3A_296 = arith.subf %parallel_loop3A_295, %parallel_loop3A_293 : vector<16xf32>
        %parallel_loop3A_297 = arith.mulf %parallel_loop3A_288, %parallel_loop3A_296 : vector<16xf32>
        %parallel_loop3A_298 = arith.constant 5.000000e-01 : f32
        %parallel_loop3A_299 = vector.broadcast %parallel_loop3A_298 : f32 to vector<16xf32>
        %parallel_loop3A_300 = arith.mulf %parallel_loop3A_299, %parallel_loop3A_280 : vector<16xf32>
        %parallel_loop3A_301 = arith.mulf %parallel_loop3A_300, %parallel_loop3A_297 : vector<16xf32>
        %parallel_loop3A_302 = arith.mulf %parallel_loop3A_301, %parallel_loop3A_297 : vector<16xf32>
        %parallel_loop3A_303 = arith.constant 1.500000e+00 : f32
        %parallel_loop3A_304 = vector.broadcast %parallel_loop3A_303 : f32 to vector<16xf32>
        %parallel_loop3A_305 = arith.subf %parallel_loop3A_304, %parallel_loop3A_302 : vector<16xf32>
        %parallel_loop3A_306 = arith.mulf %parallel_loop3A_297, %parallel_loop3A_305 : vector<16xf32>
        %parallel_loop3A_307 = arith.constant 5.000000e-01 : f32
        %parallel_loop3A_308 = vector.broadcast %parallel_loop3A_307 : f32 to vector<16xf32>
        %parallel_loop3A_309 = arith.mulf %parallel_loop3A_308, %parallel_loop3A_280 : vector<16xf32>
        %parallel_loop3A_310 = arith.mulf %parallel_loop3A_309, %parallel_loop3A_306 : vector<16xf32>
        %parallel_loop3A_311 = arith.mulf %parallel_loop3A_310, %parallel_loop3A_306 : vector<16xf32>
        %parallel_loop3A_312 = arith.constant 1.500000e+00 : f32
        %parallel_loop3A_313 = vector.broadcast %parallel_loop3A_312 : f32 to vector<16xf32>
        %parallel_loop3A_314 = arith.subf %parallel_loop3A_313, %parallel_loop3A_311 : vector<16xf32>
        %parallel_loop3A_315 = arith.mulf %parallel_loop3A_306, %parallel_loop3A_314 : vector<16xf32>
        %parallel_loop3A_316 = arith.subf %parallel_loop3A_219, %parallel_loop3A_267 : vector<16xf32>
        %parallel_loop3A_317 = arith.mulf %parallel_loop3A_315, %get3A_5 : vector<16xf32>
        %parallel_loop3A_318 = arith.mulf %parallel_loop3A_316, %parallel_loop3A_317 : vector<16xf32>
        %parallel_loop3A_319 = arith.addf %parallel_loop3A_318, %get3A_21 : vector<16xf32>
        %parallel_loop3A_320 = arith.index_cast %parallel_loop3A_206 : i32 to index
        %parallel_loop3A_321 = arith.constant 0 : index
        %parallel_loop3A_322 = tpu.vector_load %arg19[%parallel_loop3A_320, %parallel_loop3A_321] {strides = array<i32>} : memref<200x64xf32, #tpu.memory_space<vmem>>, vector<16xf32>,
        tpu.vector_store %arg19[%parallel_loop3A_320, %parallel_loop3A_321], %parallel_loop3A_319 {strides = array<i32>} : memref<200x64xf32, #tpu.memory_space<vmem>>, vector<16xf32>,
        %parallel_loop3A_323 = arith.subf %parallel_loop3A_229, %parallel_loop3A_267 : vector<16xf32>
        %parallel_loop3A_324 = arith.mulf %parallel_loop3A_315, %get3A_9 : vector<16xf32>
        %parallel_loop3A_325 = arith.mulf %parallel_loop3A_323, %parallel_loop3A_324 : vector<16xf32>
        %parallel_loop3A_326 = arith.addf %parallel_loop3A_325, %get3A_25 : vector<16xf32>
        %parallel_loop3A_327 = arith.index_cast %parallel_loop3A_206 : i32 to index
        %parallel_loop3A_328 = arith.constant 16 : index
        %parallel_loop3A_329 = tpu.vector_load %arg19[%parallel_loop3A_327, %parallel_loop3A_328] {strides = array<i32>} : memref<200x64xf32, #tpu.memory_space<vmem>>, vector<16xf32>,
        tpu.vector_store %arg19[%parallel_loop3A_327, %parallel_loop3A_328], %parallel_loop3A_326 {strides = array<i32>} : memref<200x64xf32, #tpu.memory_space<vmem>>, vector<16xf32>,
        %parallel_loop3A_330 = arith.subf %parallel_loop3A_239, %parallel_loop3A_267 : vector<16xf32>
        %parallel_loop3A_331 = arith.mulf %parallel_loop3A_315, %get3A_13 : vector<16xf32>
        %parallel_loop3A_332 = arith.mulf %parallel_loop3A_330, %parallel_loop3A_331 : vector<16xf32>
        %parallel_loop3A_333 = arith.addf %parallel_loop3A_332, %get3A_29 : vector<16xf32>
        %parallel_loop3A_334 = arith.index_cast %parallel_loop3A_206 : i32 to index
        %parallel_loop3A_335 = arith.constant 32 : index
        %parallel_loop3A_336 = tpu.vector_load %arg19[%parallel_loop3A_334, %parallel_loop3A_335] {strides = array<i32>} : memref<200x64xf32, #tpu.memory_space<vmem>>, vector<16xf32>,
        tpu.vector_store %arg19[%parallel_loop3A_334, %parallel_loop3A_335], %parallel_loop3A_333 {strides = array<i32>} : memref<200x64xf32, #tpu.memory_space<vmem>>, vector<16xf32>,
        %parallel_loop3A_337 = arith.subf %parallel_loop3A_249, %parallel_loop3A_267 : vector<16xf32>
        %parallel_loop3A_338 = arith.mulf %parallel_loop3A_315, %get3A_17 : vector<16xf32>
        %parallel_loop3A_339 = arith.mulf %parallel_loop3A_337, %parallel_loop3A_338 : vector<16xf32>
        %parallel_loop3A_340 = arith.addf %parallel_loop3A_339, %get3A_33 : vector<16xf32>
        %parallel_loop3A_341 = arith.index_cast %parallel_loop3A_206 : i32 to index
        %parallel_loop3A_342 = arith.constant 48 : index
        %parallel_loop3A_343 = tpu.vector_load %arg19[%parallel_loop3A_341, %parallel_loop3A_342] {strides = array<i32>} : memref<200x64xf32, #tpu.memory_space<vmem>>, vector<16xf32>,
        tpu.vector_store %arg19[%parallel_loop3A_341, %parallel_loop3A_342], %parallel_loop3A_340 {strides = array<i32>} : memref<200x64xf32, #tpu.memory_space<vmem>>, vector<16xf32>,
      } {sc.loop_unroll_factor = 2 : i64, sc.parallel_access}
      %add3A_197 = arith.addi %mul3A_2, %add3A_161 : i32
      %dma_start3A_198 = arith.constant 0 : i32
      %dma_start3A_199 = arith.constant 0 : i32
      %dma_start3A_200 = tpu.memref_slice %arg9[%add3A_197, %dma_start3A_198, %dma_start3A_199] : memref<1024x200x64xf32, #tpu.memory_space<hbm>> -> memref<1x200x64xf32, #tpu.memory_space<hbm>>
      %dma_start3A_201 = tpu.memref_squeeze %dma_start3A_200 : memref<1x200x64xf32, #tpu.memory_space<hbm>> -> memref<200x64xf32, #tpu.memory_space<hbm>>
      %dma_start3A_202 = arith.constant 0 : i32
      %dma_start3A_203 = arith.constant 0 : i32
      %dma_start3A_204 = tpu.memref_slice %arg9[%add3A_197, %dma_start3A_202, %dma_start3A_203] : memref<1024x200x64xf32, #tpu.memory_space<hbm>> -> memref<1x200x64xf32, #tpu.memory_space<hbm>>
      %dma_start3A_205 = tpu.memref_squeeze %dma_start3A_204 : memref<1x200x64xf32, #tpu.memory_space<hbm>> -> memref<200x64xf32, #tpu.memory_space<hbm>>
      tpu.enqueue_dma source(%arg19 : memref<200x64xf32, #tpu.memory_space<vmem>>) target(%dma_start3A_205 : memref<200x64xf32, #tpu.memory_space<hbm>>) target_semaphore(%arg23 : memref<!tpu.dma_semaphore, #tpu.memory_space<semaphore_mem>>)
    }
    %scan3A_94 = arith.constant 16 : i32
    %add3A_95 = arith.constant 30 : i32
    %add3A_96 = arith.addi %mul3A_2, %add3A_95 : i32
    %dma_wait3A = arith.constant 0 : i32
    %dma_wait3A_97 = arith.constant 0 : i32
    %dma_wait3A_98 = tpu.memref_slice %arg9[%add3A_96, %dma_wait3A, %dma_wait3A_97] : memref<1024x200x64xf32, #tpu.memory_space<hbm>> -> memref<1x200x64xf32, #tpu.memory_space<hbm>>
    %dma_wait3A_99 = tpu.memref_squeeze %dma_wait3A_98 : memref<1x200x64xf32, #tpu.memory_space<hbm>> -> memref<200x64xf32, #tpu.memory_space<hbm>>
    %dma_wait3A_100 = arith.constant 0 : i32
    %dma_wait3A_101 = arith.constant 0 : i32
    %dma_wait3A_102 = tpu.memref_slice %arg9[%add3A_96, %dma_wait3A_100, %dma_wait3A_101] : memref<1024x200x64xf32, #tpu.memory_space<hbm>> -> memref<1x200x64xf32, #tpu.memory_space<hbm>>
    %dma_wait3A_103 = tpu.memref_squeeze %dma_wait3A_102 : memref<1x200x64xf32, #tpu.memory_space<hbm>> -> memref<200x64xf32, #tpu.memory_space<hbm>>
    tpu.wait_dma2 semaphore(%arg22 : memref<!tpu.dma_semaphore, #tpu.memory_space<semaphore_mem>>) src(%arg18 : memref<200x64xf32, #tpu.memory_space<vmem>>) dst(%dma_wait3A_103 : memref<200x64xf32, #tpu.memory_space<hbm>>)
    %add3A_104 = arith.constant 31 : i32
    %add3A_105 = arith.addi %mul3A_2, %add3A_104 : i32
    %dma_wait3A_106 = arith.constant 0 : i32
    %dma_wait3A_107 = arith.constant 0 : i32
    %dma_wait3A_108 = tpu.memref_slice %arg9[%add3A_105, %dma_wait3A_106, %dma_wait3A_107] : memref<1024x200x64xf32, #tpu.memory_space<hbm>> -> memref<1x200x64xf32, #tpu.memory_space<hbm>>
    %dma_wait3A_109 = tpu.memref_squeeze %dma_wait3A_108 : memref<1x200x64xf32, #tpu.memory_space<hbm>> -> memref<200x64xf32, #tpu.memory_space<hbm>>
    %dma_wait3A_110 = arith.constant 0 : i32
    %dma_wait3A_111 = arith.constant 0 : i32
    %dma_wait3A_112 = tpu.memref_slice %arg9[%add3A_105, %dma_wait3A_110, %dma_wait3A_111] : memref<1024x200x64xf32, #tpu.memory_space<hbm>> -> memref<1x200x64xf32, #tpu.memory_space<hbm>>
    %dma_wait3A_113 = tpu.memref_squeeze %dma_wait3A_112 : memref<1x200x64xf32, #tpu.memory_space<hbm>> -> memref<200x64xf32, #tpu.memory_space<hbm>>
    tpu.wait_dma2 semaphore(%arg23 : memref<!tpu.dma_semaphore, #tpu.memory_space<semaphore_mem>>) src(%arg19 : memref<200x64xf32, #tpu.memory_space<vmem>>) dst(%dma_wait3A_113 : memref<200x64xf32, #tpu.memory_space<hbm>>)
    return
  }
}

</mosaic_0001>

<sc_bundles>
// kernel: kernel.3.cloned.1.call-start
scs
__scs_entry_jumppad:
0x0: {  	(pc) =	sbr.rel $0x88, $3  }
0x1: {  	(tag) =	ssettag $0x0;
	lr =	simm.s32 $0x1  }
0x2: {  	[smem:$0x3F9A] =	sst lr;
	_ =	strace $0xD0000000  }
0x3: {  	_ = 	snop  }
0x4: {  	_ = 	snop  }
0x5: {  	_ = 	snop  }
0x6: {  	_ = 	snop  }
0x7: {  	_ = 	snop  }
__scs_overlays_trampoline_lowered:
0x8: {  	[smem:$0x3FA9] =	sst s0  }
0x9: {  	[smem:$0x3FAA] =	sst s1  }
0xa: {  	[smem:$0x3FAB] =	sst s2  }
0xb: {  	[smem:$0x3FAC] =	sst s3  }
0xc: {  	[smem:$0x3FAD] =	sst s4  }
0xd: {  	[smem:$0x3FAE] =	sst s5  }
0xe: {  	[smem:$0x3FAF] =	sst s6  }
0xf: {  	[smem:$0x3FB0] =	sst s7  }
0x10: {  	[smem:$0x3FB1] =	sst s8  }
0x11: {  	[smem:$0x3FB2] =	sst s9;
	s0 =	simm.s32 @!p0 $0x0  }
0x12: {  	s1 =	sld [smem:$0x3F98];
	s0 =	simm.s32 @p0 $0x1  }
0x13: {  	[smem:$0x3FB3] =	sst s0;
	s0 =	simm.s32 @!p1 $0x0  }
0x14: {  	s2 =	sld [smem:$0x3F97];
	s0 =	simm.s32 @p1 $0x1  }
0x15: {  	[smem:$0x3FB4] =	sst s0;
	s0 =	simm.s32 @!p2 $0x0  }
0x16: {  	s3 =	sld [smem:$0x3FDB];
	s0 =	simm.s32 @p2 $0x1  }
0x17: {  	s4 =	simm.s32 $0x1BF5;
	[smem:$0x3FB6] =	sst s0  }
0x18: {  	s0 =	sld [smem:$0x3F99];
	_ =	swait.ge [sflag:s4], $0x0  }
0x19: {  	s7 =	sld [smem:$0x3F9A]  }
0x1a: {  	s8 =	sadd.s32 $0xFFFFE003, lr  }
0x1b: {  	s9 =	sadd.s32 $0xFFFFFEF7, lr;
	s5 =	simm.s32 $0xFFFFFFFF;
	p2 =	slt.u32 s8, $0xFFFFF086  }
0x1c: {  	p1 =	slt.u32 s9, $0xF7A;
	s5 =	simm.s32 @!p2 $0x0  }
0x1d: {  	s5 =	simm.s32 @p1 $0x1;
	p0 =	seq.s32 s7, s2  }
0x1e: {  	s7 =	smul.u32 @!p0 $0xF7A, s2;
	p2 =	seq.s32 @!p0 s5, $0x0  }
0x1f: {  	s9 =	smul.u32 $0xF7A, s1;
	s8 =	simm.s32 @!p0 $0x1BF5;
	p2 =	por !p2, p0  }
0x20: {  	[sflag:s8] =	ssyncset.s32 @!p0 $0xFFFFF086;
	s6 =	sadd.s32 @!p0 s3, s7;
	s7 =	simm.s32 @!p0 $0x108  }
0x21: {  	s3 =	sadd.s32 s3, s9;
	s6 =	sadd.s32 @!p0 $0x88, s6;
	s7 =	simm.s32 @p2 $0x1082  }
0x22: {  	[simem:s7], [sflag:s8] =	dma.local @!p0 [hbm:s6], $0xF7A  }
0x23: {  	s9 =	sor.u32 $0xD0000000, s2;
	s6 =	simm.s32 $0x108;
	_ =	swait.ge @!p0 [sflag:s8], $0x0  }
0x24: {  	s3 =	sadd.s32 $0x88, s3;
	s6 =	simm.s32 @!p1 $0x1082;
	[sflag:s4] =	ssyncset.s32 $0xFFFFF086  }
0x25: {  	[simem:s6], [sflag:s4] =	dma.local [hbm:s3], $0xF7A  }
0x26: {  	[smem:$0x3F9A] =	sst s1;
	(tag) =	ssettag s2;
	_ =	strace s9  }
0x27: {  	s1 =	sld [smem:$0x3FAA]  }
0x28: {  	s2 =	sld [smem:$0x3FAB]  }
0x29: {  	s4 =	sld [smem:$0x3FAD]  }
0x2a: {  	p0 =	seq.s32 s5, $0x0;
	s5 =	sld [smem:$0x3FAE]  }
0x2b: {  	s6 =	sld [smem:$0x3FAF]  }
0x2c: {  	s7 =	sld [smem:$0x3FB0]  }
0x2d: {  	s3 =	simm.s32 $0x108;
	s8 =	sld [smem:$0x3FB1]  }
0x2e: {  	s3 =	simm.s32 @!p0 $0x1082;
	s9 =	sld [smem:$0x3FB2]  }
0x2f: {  	lr =	sadd.s32 s0, s3;
	s0 =	sld [smem:$0x3FA9]  }
0x30: {  	s3 =	sld [smem:$0x3FAC]  }
0x31: {  	[smem:$0x3FB5] =	sst s10  }
0x32: {  	s10 =	sld [smem:$0x3FB3];
	_ =	sdelay $0x3  }
0x33: {  	p0 =	seq.s32 s10, $0x1;
	s10 =	sld [smem:$0x3FB5];
	_ =	sdelay $0x3  }
0x34: {  	[smem:$0x3FB5] =	sst s10  }
0x35: {  	s10 =	sld [smem:$0x3FB4];
	_ =	sdelay $0x3  }
0x36: {  	p1 =	seq.s32 s10, $0x1;
	s10 =	sld [smem:$0x3FB5];
	_ =	sdelay $0x3  }
0x37: {  	[smem:$0x3FB5] =	sst s10  }
0x38: {  	s10 =	sld [smem:$0x3FB6]  }
0x39: {  	_ = 	snop;
	(pc) =	sbr.ind lr, $3  }
0x3a: {  	_ = 	snop  }
0x3b: {  	_ = 	snop  }
0x3c: {  	p2 =	seq.s32 s10, $0x1;
	s10 =	sld [smem:$0x3FB5]  }
0x3d: {  	_ =	shalt  }
0x3e: {  	_ =	shalt  }
0x3f: {  	_ =	shalt  }
0x40: {  	_ =	shalt  }
0x41: {  	_ =	shalt  }
0x42: {  	_ =	shalt  }
0x43: {  	_ =	shalt  }
0x44: {  	_ =	shalt  }
0x45: {  	_ =	shalt  }
0x46: {  	_ =	shalt  }
0x47: {  	_ =	shalt  }
0x48: {  	_ =	shalt  }
0x49: {  	_ =	shalt  }
0x4a: {  	_ =	shalt  }
0x4b: {  	_ =	shalt  }
0x4c: {  	_ =	shalt  }
0x4d: {  	_ =	shalt  }
0x4e: {  	_ =	shalt  }
0x4f: {  	_ =	shalt  }
0x50: {  	_ =	shalt  }
0x51: {  	_ =	shalt  }
0x52: {  	_ =	shalt  }
0x53: {  	_ =	shalt  }
0x54: {  	_ =	shalt  }
0x55: {  	_ =	shalt  }
0x56: {  	_ =	shalt  }
0x57: {  	_ =	shalt  }
0x58: {  	_ =	shalt  }
0x59: {  	_ =	shalt  }
0x5a: {  	_ =	shalt  }
0x5b: {  	_ =	shalt  }
0x5c: {  	_ =	shalt  }
0x5d: {  	_ =	shalt  }
0x5e: {  	_ =	shalt  }
0x5f: {  	_ =	shalt  }
0x60: {  	_ =	shalt  }
0x61: {  	_ =	shalt  }
0x62: {  	_ =	shalt  }
0x63: {  	_ =	shalt  }
0x64: {  	_ =	shalt  }
0x65: {  	_ =	shalt  }
0x66: {  	_ =	shalt  }
0x67: {  	_ =	shalt  }
0x68: {  	_ =	shalt  }
0x69: {  	_ =	shalt  }
0x6a: {  	_ =	shalt  }
0x6b: {  	_ =	shalt  }
0x6c: {  	_ =	shalt  }
0x6d: {  	_ =	shalt  }
0x6e: {  	_ =	shalt  }
0x6f: {  	_ =	shalt  }
0x70: {  	_ =	shalt  }
0x71: {  	_ =	shalt  }
0x72: {  	_ =	shalt  }
0x73: {  	_ =	shalt  }
0x74: {  	_ =	shalt  }
0x75: {  	_ =	shalt  }
0x76: {  	_ =	shalt  }
0x77: {  	_ =	shalt  }
0x78: {  	_ =	shalt  }
0x79: {  	_ =	shalt  }
0x7a: {  	_ =	shalt  }
0x7b: {  	_ =	shalt  }
0x7c: {  	_ =	shalt  }
0x7d: {  	_ =	shalt  }
0x7e: {  	_ =	shalt  }
0x7f: {  	_ =	shalt  }
0x80: {  	_ =	shalt  }
0x81: {  	_ =	shalt  }
0x82: {  	_ =	shalt  }
0x83: {  	_ =	shalt  }
0x84: {  	_ =	shalt  }
0x85: {  	_ =	shalt  }
0x86: {  	_ =	shalt  }
0x87: {  	_ =	shalt  }
.Lfunc_end0:
.L_simem_size_0:
called_computation.1_lowered:
.L_overlay_start_0:
0x88: {  	s2 =	sld [smem:$0x3FD9]  }
0x89: {  	s3 =	sld [smem:$0x3FFE];
	_ =	sdelay $0x1  }
0x8a: {  	s1 =	srdreg.scid  }
0x8b: {  	s0 =	sand.u32 $0x1, s1  }
0x8c: {  	s17 =	sshll.u32 s0, $0xA;
	s2 =	sadd.s32 s3, s2  }
0x8d: {  	s2 =	sadd.s32 s2, s17  }
0x8e: {  	[smem:$0x3FC1] =	sst s2  }
0x8f: {  	_ = 	snop  }
0x90: {  	s2 =	sld [smem:$0x3FC4]  }
0x91: {  	s18 =	sld [smem:$0x3FC3]  }
0x92: {  	s4 =	sld [smem:$0x3FD0];
	(tm) =	ssettm $0x1  }
0x93: {  	s5 =	sld [smem:$0x3FFB];
	_ =	sdelay $0x3  }
0x94: {  	_ =	strace s5  }
0x95: {  	s5 =	sld [smem:$0x3FFC];
	_ =	sdelay $0x3  }
0x96: {  	_ =	strace s5  }
0x97: {  	s5 =	sld [smem:$0x3FFD];
	_ =	sdelay $0x3  }
0x98: {  	_ =	strace s5  }
0x99: {  	_ =	strace $0x8FFFFFFF  }
0x9a: {  	s19 =	sld [smem:$0x3FDB];
	_ =	sdelay $0x1  }
0x9b: {  	s6 =	simm.s32 $_scs_section_size  }
0x9c: {  	s7 =	simm.s32 $_size__tile_overlayer_lowered;
	s8 =	simm.s32 $_tile_overlayer_lowered  }
0x9d: {  	s22 =	simm.s32 $0x1BFF;
	s21 =	sshll.u32 s8, $0x1;
	s5 =	sadd.s32 s6, s19  }
0x9e: {  	s9 =	simm.s32 $0x0;
	s20 =	sshll.u32 s7, $0x1;
	s7 =	sadd.s32 s21, s5  }
0x9f: {  	[timem:s9], [sflag:s22] =	dma.local [hbm:s7], s20  }
0xa0: {  	_ =	swait.ge [sflag:s22], s20  }
0xa1: {  	s6 =	ssub.s32 $0x0, s20;
	[sflag:s22] =	ssyncset.done $0x0  }
0xa2: {  	[sflag:s22] =	ssyncadd.s32 s6;
	_ =	sdelay $0x1  }
0xa3: {  	s23 =	simm.s32 $0x1B8B  }
0xa4: {  	_ =	swait.ge [sflag:s23], $0x1  }
0xa5: {  	[sflag:s23] =	ssyncset.done $0x0  }
0xa6: {  	s25 =	simm.s32 $0x1B8E;
	s24 =	sld [smem:$0x3FFE];
	[sflag:s23] =	ssyncadd.s32 $0xFFFFFFFF  }
0xa7: {  	s26 =	simm.s32 $execute0_lowered;
	[smem:$0x3FD2] =	sst s25  }
0xa8: {  	s7 =	sshll.u32 s26, $0x1;
	_ =	strace $0x80000046;
	[dreg:$0x1] =	wrdreg $0xFFFFFFFF  }
0xa9: {  	s28 =	simm.s32 $_size_execute0_lowered;
	s5 =	sadd.s32 s5, s7;
	[dreg:$0x0] =	wrdreg $0x0  }
0xaa: {  	s7 =	sshll.u32 s28, $0x1;
	[dreg:$0x2] =	wrdreg s5  }
0xab: {  	[dreg:$0x3] =	wrdreg s7  }
0xac: {  	[dreg:$0x4] =	wrdreg $0xC0  }
0xad: {  	_ =	task [dreg:s9], $0x5FFFF  }
0xae: {  	[dreg:$0x1] =	wrdreg $0xFFFFFFFF  }
0xaf: {  	[dreg:$0x0] =	wrdreg $0x60  }
0xb0: {  	[dreg:$0x2] =	wrdreg s24  }
0xb1: {  	[dreg:$0x3] =	wrdreg s2  }
0xb2: {  	[dreg:$0x4] =	wrdreg s18  }
0xb3: {  	[dreg:$0x5] =	wrdreg s4  }
0xb4: {  	[dreg:$0x6] =	wrdreg $0x9  }
0xb5: {  	_ =	task.clear_ibuf [dreg:s9], $0x7FFFF;
	_ =	strace $0x90000046  }
0xb6: {  	s29 =	simm.s32 $0x9;
	_ =	strace $0x80000048  }
0xb7: {  	_ =	swait.ge [sflag:s29], $0x1  }
0xb8: {  	[sflag:s29] =	ssyncadd.s32 $0xFFFFFFFF  }
0xb9: {  	_ =	strace $0x90000048  }
0xba: {  	_ =	sfence  }
0xbb: {  	s30 =	sld [smem:$0x0];
	_ =	sdelay $0x2  }
0xbc: {  	s31 =	sshll.u32 s1, $0xD;
	s1 =	sshrl.u32 s1, $0x2  }
0xbd: {  	s3 =	sand.u32 $0x4000, s31;
	s1 =	sadd.s32 s1, s30  }
0xbe: {  	s0 =	sor.u32 s3, s0;
	s1 =	sshll.u32 s1, $0x11  }
0xbf: {  	s0 =	sor.u32 s1, s0  }
0xc0: {  	s0 =	sadd.s32 $0x8F2B, s0  }
0xc1: {  	[sflag:s0] =	ssyncadd.remote.s32 $0x1  }
0xc2: {  	_ =	sfence.sel $0xFFFF  }
0xc3: {  	[dreg:$0x0] =	wrdreg $0xFFFFFFFF;
	(pc) =	sbr.abs _section_cstart, $3  }
0xc4: {  	[dreg:$0x1] =	wrdreg $0xFFFFFFFF  }
0xc5: {  	_ =	task.clear_ibuf [dreg:s9], $0x2FFFF;
	_ =	strace $0x9FFFFFFF  }
0xc6: {  	(tm) =	ssettm $0x7FFFFFFF  }
0xc7: {  	_ =	shalt  }
tec
execute0_lowered:
.L_overlay_start_1:
0x0: {  	(tag) =	ssettag $0x1  }
0x1: {  	s0 =	rddreg [dreg:$0x0];
	s1 =	srdreg.scid  }
0x2: {  	s2 =	stileid.u32;
	s4 =	rddreg [dreg:$0x3];
	s5 =	simm.s32 $0x0  }
0x3: {  	s14 =	simm.s32 $0x5;
	s18 =	simm.s32 $0x1A00;
	s19 =	simm.s32 $0x64  }
0x4: {  	s23 =	simm.s32 $0x9F00;
	s24 =	simm.s32 $0xB800;
	s28 =	simm.s32 $0x2  }
0x5: {  	s29 =	simm.s32 $0x10300;
	s30 =	simm.s32 $0x3;
	s31 =	simm.s32 $0x4  }
0x6: {  	s1 =	sand.u32 $0x1, s1;
	s2 =	sshll.u32 s2, $0x6;
	[smem:$0x7FF] =	sst s5  }
0x7: {  	s7 =	sadd.s32 $0xF43400, s0;
	s8 =	sadd.s32 $0xF800, s0;
	s3 =	sshll.u32 s1, $0x5  }
0x8: {  	_ =	strace $0x80000047;
	s1 =	ssub.s32 $0x2, s1;
	s6 =	sor.u32 s3, s2  }
0x9: {  	[dreg:$0x5] =	wrdreg s8;
	s25 =	sshrl.u32 s1, $0x1;
	s2 =	smul.u32 $0x1A, s6  }
0xa: {  	s3 =	sshll.u32 s6, $0x5;
	s26 =	ssub.s32 s1, s25;
	s25 =	simm.s32 $0x1  }
0xb: {  	s3 =	sadd.s32 s3, s0;
	s12 =	smax.u32 s26, $0x1;
	s26 =	simm.s32 $0xD100  }
0xc: {  	s2 =	sadd.s32 s2, s0;
	s0 =	sadd.s32 $0x10000, s0;
	s11 =	sadd.s32 $0x1000, s3  }
0xd: {  	[dreg:$0x6] =	wrdreg s0;
	s10 =	sadd.s32 $0x9000, s2;
	s2 =	simm.s32 $0x0  }
.LBB2_1:
0xe: {  	s0 =	rddreg [dreg:$0x5];
	s1 =	simm.s32 $0x3A00  }
0xf: {  	[tilespmem:s1], [sflag:$0x5] =	stream.linear.gather [hbm4b:s0+s5], $0x3200, $0x38;
	[tilespmem:$0x13500] =	vst v63  }
0x10: {  	_ =	swait.ge [sflag:s14], $0x3200  }
0x11: {  	[sflag:s14] =	ssyncset.done $0x0  }
0x12: {  	s9 =	simm.s32 $0x6C00;
	s8 =	rddreg [dreg:$0x6];
	[sflag:s14] =	ssyncadd.s32 $0xFFFFCE00  }
0x13: {  	[tilespmem:s9], [sflag:$0x5] =	stream.linear.gather [hbm4b:s8+s5], $0x80, $0x38;
	[tilespmem:$0x13500] =	vst v63  }
0x14: {  	_ =	swait.ge [sflag:s14], $0x80  }
0x15: {  	[sflag:s14] =	ssyncset.done $0x0  }
0x16: {  	[sflag:s14] =	ssyncadd.s32 $0xFFFFFF80  }
0x17: {  	s15 =	simm.s32 $0x6C80;
	s13 =	rddreg [dreg:$0x1]  }
0x18: {  	[tilespmem:s15], [sflag:$0x5] =	stream.linear.gather [hbm4b:s13+s5], $0x40, $0x38;
	[tilespmem:$0x13500] =	vst v63  }
0x19: {  	_ =	swait.ge [sflag:s14], $0x40  }
0x1a: {  	[sflag:s14] =	ssyncset.done $0x0  }
0x1b: {  	[sflag:s14] =	ssyncadd.s32 $0xFFFFFFC0  }
0x1c: {  	s17 =	simm.s32 $0x6CC0;
	s16 =	rddreg [dreg:$0x2]  }
0x1d: {  	[tilespmem:s17], [sflag:$0x5] =	stream.linear.gather [hbm4b:s16+s5], $0x40, $0x38;
	[tilespmem:$0x13500] =	vst v63  }
0x1e: {  	_ =	swait.ge [sflag:s14], $0x40  }
0x1f: {  	[sflag:s14] =	ssyncset.done $0x0  }
0x20: {  	[sflag:s14] =	ssyncadd.s32 $0xFFFFFFC0  }
0x21: {  	[tilespmem:s5], [sflag:$0x5] =	stream.linear.gather [hbm4b:s10+s5], $0x1A00, $0x38;
	[tilespmem:$0x13500] =	vst v63  }
0x22: {  	_ =	swait.ge [sflag:s14], $0x1A00  }
0x23: {  	[sflag:s14] =	ssyncset.done $0x0  }
0x24: {  	[sflag:s14] =	ssyncadd.s32 $0xFFFFE600  }
0x25: {  	[tilespmem:s18], [sflag:$0x5] =	stream.linear.gather [hbm4b:s11+s5], $0x2000, $0x38;
	[tilespmem:$0x13500] =	vst v63  }
0x26: {  	_ =	swait.ge [sflag:s14], $0x2000  }
0x27: {  	[sflag:s14] =	ssyncset.done $0x0  }
0x28: {  	[sflag:s14] =	ssyncadd.s32 $0xFFFFE000  }
0x29: {  	v0 =	vld [tilespmem:$0x6C80]  }
0x2a: {  	v1 =	vld [tilespmem:$0x6C90]  }
0x2b: {  	v2 =	vld [tilespmem:$0x6CA0]  }
0x2c: {  	v3 =	vld [tilespmem:$0x6CB0]  }
0x2d: {  	v4 =	vld [tilespmem:$0x6CC0]  }
0x2e: {  	v8 =	vld [tilespmem:$0x6C00]  }
0x2f: {  	v9 =	vld [tilespmem:$0x6C10]  }
0x30: {  	v10 =	vld [tilespmem:$0x6C20]  }
0x31: {  	v11 =	vld [tilespmem:$0x6C30]  }
0x32: {  	v12 =	vld [tilespmem:$0x6C40]  }
0x33: {  	v13 =	vld [tilespmem:$0x6C50]  }
0x34: {  	v14 =	vld [tilespmem:$0x6C60]  }
0x35: {  	v15 =	vld [tilespmem:$0x6C70]  }
0x36: {  	v5 =	vld [tilespmem:$0x6CD0]  }
0x37: {  	s20 =	simm.s32 $0x6D00;
	v6 =	vld [tilespmem:$0x6CE0]  }
0x38: {  	v7 =	vld [tilespmem:$0x6CF0];
	[tilespmem:s20], [sflag:$0x1] =	stream.indirect.gather [hbm4b:s7+s19], $0x40, s5, s19, $0xb8  }
0x39: {  	s21 =	simm.s32 $0x68;
	s22 =	simm.s32 $0x8600;
	s0 =	simm.s32 $0x0;
	v12 =	vsub.f32 v12, v8;
	v13 =	vsub.f32 v13, v9  }
0x3a: {  	[tilespmem:s22], [sflag:$0x1] =	stream.indirect.gather [hbm4b:s7+s19], $0x40, s21, s19, $0xb8;
	v14 =	vsub.f32 v14, v10;
	v15 =	vsub.f32 v15, v11;
	[tilespmem:$0x13500] =	vst v63  }
.LBB2_2:
0x3b: {  	s1 =	sshllo.u32 s0, $0x1  }
0x3c: {  	s3 =	smul.u32 $0x340, s1;
	_ =	sdelay $0x1  }
0x3d: {  	s3 =	sshra.s32 s3, $0x2  }
0x3e: {  	[tilespmem:s23], [sflag:$0x2] =	stream.indirect.gather [hbm4b:s7+s19], $0x40, s3, s19, $0xb8;
	[tilespmem:$0x13500] =	vst v63  }
0x3f: {  	s3 =	sadd.s32 $0x68, s3  }
0x40: {  	[tilespmem:s24], [sflag:$0x2] =	stream.indirect.gather [hbm4b:s7+s19], $0x40, s3, s19, $0xb8;
	[tilespmem:$0x13500] =	vst v63  }
0x41: {  	_ =	swait.ge [sflag:s25], $0x1900  }
0x42: {  	[sflag:s25] =	ssyncset.done $0x0  }
0x43: {  	[sflag:s25] =	ssyncadd.s32 $0xFFFFE700  }
0x44: {  	_ =	swait.ge [sflag:s25], $0x1900  }
0x45: {  	p0 =	seq.s32 s0, $0x0;
	s13 =	simm.s32 $0x1;
	[sflag:s25] =	ssyncset.done $0x0  }
0x46: {  	s8 =	simm.s32 @!p0 $0x3;
	s3 =	sshll.u32 s0, $0x1;
	[sflag:s25] =	ssyncadd.s32 $0xFFFFE700  }
0x47: {  	v17 =	vmov s13;
	s15 =	sshll.u32 s3, $0x8;
	_ =	swait.ge @!p0 [sflag:s8], $0x3200  }
0x48: {  	v17 =	vand.u32 $0xFF, v17;
	v16 =	vmov s15;
	[sflag:s8] =	ssyncset.done @!p0 $0x0  }
0x49: {  	s20 =	simm.s32 $0x3A40;
	v17 =	vor.u32 v16, v17;
	[sflag:s8] =	ssyncadd.s32 @!p0 $0xFFFFCE00  }
0x4a: {  	s21 =	simm.s32 $0x6D40;
	v17 =	vbroadcast v17, $0x0;
	v18 =	vld [tilespmem:s20+$0x30]  }
0x4b: {  	v19 =	vld [tilespmem:s21+$0x30]  }
0x4c: {  	v20 =	vld [tilespmem:s20+$0x10]  }
0x4d: {  	v21 =	vld [tilespmem:s21+$0x10]  }
0x4e: {  	v22 =	vld [tilespmem:s20+$0x0]  }
0x4f: {  	v23 =	vld [tilespmem:s21+$0x0]  }
0x50: {  	v17 =	vld.idx.msk [tilespmem:v17+s18+$0x0], $0xffff  }
0x51: {  	v24 =	vld [tilespmem:s20+$0x20]  }
0x52: {  	v25 =	vld [tilespmem:s21+$0x20];
	_ =	sdelay $0x2  }
0x53: {  	v19 =	vadd.f32 v18, v19  }
0x54: {  	v18 =	vadd.f32 v22, v23;
	v20 =	vadd.f32 v20, v21;
	v21 =	vmul.f32 v17, v12  }
0x55: {  	v22 =	vmul.f32 v17, v14;
	v23 =	vadd.f32 v24, v25;
	v24 =	vmul.f32 v17, v15  }
0x56: {  	v17 =	vmul.f32 v17, v13;
	v21 =	vadd.f32 v21, v8  }
0x57: {  	v22 =	vadd.f32 v22, v10;
	v24 =	vadd.f32 v24, v11  }
0x58: {  	v25 =	vadd.f32 v17, v9;
	v18 =	vadd.f32 v18, v21  }
0x59: {  	v21 =	vadd.f32 v23, v22;
	v17 =	vadd.f32 v19, v24  }
0x5a: {  	v19 =	vadd.f32 v20, v25;
	v20 =	vmul.f32 v18, v18  }
0x5b: {  	v22 =	vmul.f32 v21, v21;
	v23 =	vmul.f32 v17, v17  }
0x5c: {  	v24 =	vmul.f32 v19, v19;
	v25 =	vadd.f32 v17, v21;
	v26 =	vadd.f32 v19, v18  }
0x5d: {  	s9 =	simm.s32 $0x3;
	v22 =	vadd.f32 v23, v22  }
0x5e: {  	v29 =	vmov s9;
	v20 =	vadd.f32 v24, v20;
	v23 =	vadd.f32 v25, v26  }
0x5f: {  	v29 =	vand.u32 $0xFF, v29  }
0x60: {  	v29 =	vor.u32 v16, v29;
	v27 =	vld [tilespmem:s21+$0xFFFFFFC0];
	v20 =	vadd.f32 v22, v20;
	(xrf2) =	vadd.scan.msk.f32 $0xffff, v23  }
0x61: {  	s22 =	simm.s32 $0x0;
	v29 =	vbroadcast v29, $0x0;
	v30 =	vld [tilespmem:s20+$0xFFFFFFF0]  }
0x62: {  	s16 =	simm.s32 $0x3AC0;
	v32 =	vld [tilespmem:s21+$0xFFFFFFF0];
	v24 =	vmov s22;
	(xrf2) =	vadd.scan.msk.f32 $0xffff, v20  }
0x63: {  	s17 =	simm.s32 $0x6DC0;
	v34 =	vld [tilespmem:s16+$0x30];
	v22 =	vand.u32 $0xFE, v24  }
0x64: {  	v35 =	vld [tilespmem:s17+$0x30];
	v22 =	vor.u32 v16, v22  }
0x65: {  	v48 =	vld [tilespmem:s16+$0x10];
	v20 =	vbroadcast v22, $0x0  }
0x66: {  	v37 =	vld [tilespmem:s17+$0x10]  }
0x67: {  	v29 =	vld.idx.msk [tilespmem:v29+s18+$0x0], $0xffff  }
0x68: {  	v25 =	vld [tilespmem:s20+$0xFFFFFFD0]  }
0x69: {  	v26 =	vld [tilespmem:s21+$0xFFFFFFD0]  }
0x6a: {  	v23 =	vld [tilespmem:s20+$0xFFFFFFE0];
	v28, _, _ =	vpop (xrf2)  }
0x6b: {  	v20 =	vld.idx.msk [tilespmem:v20+s18+$0x0], $0xffff;
	v28 =	vmul.f32 $1.562500000e-02, v28  }
0x6c: {  	v22 =	vld [tilespmem:s20+$0xFFFFFFC0];
	v31, _, _ =	vpop (xrf2)  }
0x6d: {  	v30 =	vadd.f32 v30, v32;
	v24 =	vld [tilespmem:s21+$0xFFFFFFE0];
	v31 =	vmul.f32 $1.562500000e-02, v31;
	v33 =	vmul.f32 v28, v28  }
0x6e: {  	v34 =	vadd.f32 v34, v35;
	v37 =	vadd.f32 v48, v37  }
0x6f: {  	v52 =	vmul.f32 v29, v12;
	v53 =	vmul.f32 v29, v15;
	s20 =	simm.s32 $0x2;
	v31 =	vsub.f32 v31, v33  }
0x70: {  	v25 =	vadd.f32 v25, v26;
	v51 =	vmov s20;
	v36 =	vmul.f32 v20, v12  }
0x71: {  	v22 =	vadd.f32 v22, v27;
	v26 =	vmul.f32 v20, v13;
	v27 =	vadd.f32 $9.999999740e-06, v31  }
0x72: {  	v35 =	vand.u32 $0xFE, v51;
	v39 =	vadd.f32 v23, v24;
	v36 =	vadd.f32 v36, v8  }
0x73: {  	v38 =	vld [tilespmem:s17+$0x0];
	v35 =	vor.u32 v16, v35;
	v26 =	vadd.f32 v26, v9;
	v27 =	vbroadcast v27, $0xF  }
0x74: {  	v40 =	vmul.f32 v20, v14;
	v20 =	vmul.f32 v20, v15;
	v23 =	vadd.f32 v22, v36;
	v22 =	vld [tilespmem:s16+$0x20]  }
0x75: {  	v24 =	vadd.f32 v25, v26;
	v26 =	vshrl.u32 v27, $0x1;
	v36 =	vmul.f32 $5.000000000e-01, v27;
	v27 =	vld [tilespmem:s17+$0x20]  }
0x76: {  	v20 =	vadd.f32 v20, v11;
	v31 =	vld [tilespmem:s16+$0x0];
	v25 =	vadd.f32 v40, v10;
	v26 =	vsub.s32 $0x5F3759DF, v26  }
0x77: {  	v35 =	vbroadcast v35, $0x0;
	v33 =	vadd.f32 v52, v8;
	v50 =	vmul.f32 v26, v36  }
0x78: {  	v28 =	vbroadcast v28, $0xF;
	v30 =	vadd.f32 v30, v20;
	v25 =	vadd.f32 v39, v25  }
0x79: {  	v49 =	vadd.f32 v24, v23;
	v54 =	vmul.f32 v23, v23;
	v39 =	vmul.f32 v26, v50  }
0x7a: {  	v44 =	vadd.f32 v30, v25;
	v22 =	vadd.f32 v22, v27;
	v27 =	vmul.f32 v29, v14  }
0x7b: {  	v31 =	vadd.f32 v31, v38;
	v29 =	vmul.f32 v29, v13;
	v39 =	vsub.f32 $1.500000000e+00, v39  }
0x7c: {  	v41 =	vmul.f32 v24, v24;
	v38 =	vadd.f32 v53, v11;
	v27 =	vadd.f32 v27, v10  }
0x7d: {  	v31 =	vadd.f32 v31, v33;
	v29 =	vadd.f32 v29, v9;
	v26 =	vmul.f32 v26, v39  }
0x7e: {  	v45 =	vmul.f32 v30, v30;
	v33 =	vadd.f32 v22, v27;
	v27 =	vadd.f32 v34, v38  }
0x7f: {  	v47 =	vld [tilespmem:s17+$0xFFFFFFC0];
	v22 =	vmul.f32 v31, v31;
	v34 =	vadd.f32 v37, v29;
	v57 =	vmul.f32 v26, v36  }
0x80: {  	v35 =	vld.idx.msk [tilespmem:v35+s18+$0x0], $0xffff;
	v58 =	vadd.f32 v41, v54;
	v29 =	vmul.f32 v33, v33;
	v55 =	vmul.f32 v27, v27  }
0x81: {  	v20 =	vld [tilespmem:s16+$0xFFFFFFC0];
	v38 =	vadd.f32 v27, v33;
	v56 =	vadd.f32 v34, v31;
	v43 =	vmul.f32 v34, v34  }
0x82: {  	v46 =	vld [tilespmem:s16+$0xFFFFFFD0];
	v42 =	vmul.f32 v25, v25;
	v32 =	vadd.f32 v44, v49;
	v29 =	vadd.f32 v55, v29  }
0x83: {  	v59 =	vld [tilespmem:s17+$0xFFFFFFD0];
	v37 =	vmul.f32 v57, v26;
	v38 =	vadd.f32 v38, v56;
	v22 =	vadd.f32 v43, v22  }
0x84: {  	v60 =	vld [tilespmem:s16+$0xFFFFFFE0];
	v61 =	vadd.f32 v45, v42;
	v42 =	vsub.f32 v19, v28  }
0x85: {  	v19 =	vld [tilespmem:s17+$0xFFFFFFE0];
	v37 =	vsub.f32 $1.500000000e+00, v37;
	(xrf2) =	vadd.scan.msk.f32 $0xffff, v38;
	v22 =	vadd.f32 v29, v22;
	v29 =	vmul.f32 v35, v12  }
0x86: {  	v62 =	vld [tilespmem:s16+$0xFFFFFFF0];
	v63 =	vmul.f32 v35, v13;
	v20 =	vadd.f32 v20, v47;
	(xrf2) =	vadd.scan.msk.f32 $0xffff, v32  }
0x87: {  	s13 =	simm.s32 $0x3B40;
	v45 =	vld [tilespmem:s17+$0xFFFFFFF0];
	v26 =	vmul.f32 v37, v26;
	(xrf2) =	vadd.scan.msk.f32 $0xffff, v22;
	v22 =	vadd.f32 v61, v58;
	v29 =	vadd.f32 v29, v8  }
0x88: {  	s15 =	simm.s32 $0x6E40;
	v40 =	vsub.f32 v18, v28;
	v47 =	vadd.f32 v46, v59;
	v59 =	vld [tilespmem:s13+$0x30]  }
0x89: {  	s21 =	simm.s32 $0x5;
	v48 =	vadd.f32 v63, v9;
	v61 =	vld [tilespmem:s15+$0x30];
	(xrf2) =	vadd.scan.msk.f32 $0xffff, v22;
	v18 =	vadd.f32 v20, v29;
	v20 =	vmul.f32 v26, v36  }
0x8a: {  	v53 =	vmov s21;
	v19 =	vadd.f32 v60, v19;
	v22 =	vmul.f32 v35, v14  }
0x8b: {  	v29 =	vsub.f32 v17, v28;
	v17 =	vadd.f32 v47, v48;
	v20 =	vmul.f32 v20, v26  }
0x8c: {  	v50 =	vadd.f32 v62, v45;
	v35 =	vmul.f32 v35, v15;
	v28 =	vsub.f32 v21, v28  }
0x8d: {  	v22 =	vadd.f32 v22, v10;
	v49 =	vmul.f32 v18, v18;
	v41 =	vadd.f32 v17, v18  }
0x8e: {  	s22 =	simm.s32 $0x4;
	v51 =	vmul.f32 v17, v17;
	v35 =	vadd.f32 v35, v11;
	v37 =	vadd.f32 v59, v61  }
0x8f: {  	v62 =	vld [tilespmem:s13+$0x10];
	v59 =	vmov s22;
	v19 =	vadd.f32 v19, v22;
	v22 =	vsub.f32 $1.500000000e+00, v20;
	v20, _, _ =	vpop (xrf2)  }
0x90: {  	v32 =	vadd.f32 v51, v49;
	v49 =	vld [tilespmem:s15+$0x10];
	v45 =	vand.u32 $0xFE, v59;
	v52 =	vmul.f32 $1.562500000e-02, v20;
	v20, _, _ =	vpop (xrf2)  }
0x91: {  	v43 =	vmul.f32 v19, v19;
	v54, _, _ =	vpop (xrf2);
	v55 =	vmul.f32 $1.562500000e-02, v20;
	v20 =	vand.u32 $0xFF, v53  }
0x92: {  	v56 =	vmul.f32 $1.562500000e-02, v54;
	v57 =	vmul.f32 v52, v52;
	v58 =	vor.u32 v16, v20  }
0x93: {  	v20 =	vadd.f32 v50, v35;
	v35 =	vmul.f32 v22, v26;
	v26 =	vbroadcast v58, $0x0;
	v22, _, _ =	vpop (xrf2)  }
0x94: {  	v45 =	vor.u32 v16, v45;
	v60 =	vmul.f32 v55, v55;
	v22 =	vmul.f32 $1.562500000e-02, v22  }
0x95: {  	v45 =	vbroadcast v45, $0x0;
	v47 =	vadd.f32 v62, v49;
	v38 =	vsub.f32 v56, v57  }
0x96: {  	v63 =	vld [tilespmem:s13+$0x0];
	v36 =	vbroadcast v52, $0xF;
	v46 =	vadd.f32 v20, v19;
	v39 =	vsub.f32 v22, v60  }
0x97: {  	v52 =	vld [tilespmem:s13+$0x20];
	v48 =	vmul.f32 v35, v0;
	v50 =	vmul.f32 v35, v1;
	v38 =	vadd.f32 $9.999999740e-06, v38  }
0x98: {  	v58 =	vld [tilespmem:s15+$0x0];
	v22 =	vsub.f32 v31, v36;
	v31 =	vbroadcast v55, $0xF;
	v39 =	vadd.f32 $9.999999740e-06, v39  }
0x99: {  	v21 =	vsub.f32 v34, v36;
	v40 =	vmul.f32 v48, v40;
	v57 =	vbroadcast v38, $0xF;
	v51 =	vld.idx.msk [tilespmem:v26+s18+$0x0], $0xffff  }
0x9a: {  	v38 =	vsub.f32 v25, v31;
	v54 =	vsub.f32 v23, v31;
	v23 =	vld [tilespmem:s15+$0x20];
	v53 =	vbroadcast v39, $0xF  }
0x9b: {  	v26 =	vshrl.u32 v57, $0x1;
	v44 =	vmul.f32 $5.000000000e-01, v57;
	v39 =	vsub.f32 v30, v31  }
0x9c: {  	v30 =	vsub.s32 $0x5F3759DF, v26;
	v55 =	vshrl.u32 v53, $0x1;
	v53 =	vmul.f32 $5.000000000e-01, v53  }
0x9d: {  	v25 =	vmul.f32 v35, v2;
	v26 =	vmul.f32 v30, v44;
	v55 =	vsub.s32 $0x5F3759DF, v55  }
0x9e: {  	v34 =	vadd.f32 v63, v58;
	v60 =	vmul.f32 v55, v53;
	v61 =	vmul.f32 v51, v12  }
0x9f: {  	v23 =	vadd.f32 v52, v23;
	v62 =	vmul.f32 v51, v14;
	v56 =	vmul.f32 v30, v26  }
0xa0: {  	v57 =	vmul.f32 v51, v15;
	v48 =	vmul.f32 v55, v60;
	v49 =	vadd.f32 v61, v8  }
0xa1: {  	v63 =	vmul.f32 v51, v13;
	v52 =	vadd.f32 v62, v10;
	v58 =	vsub.f32 $1.500000000e+00, v56  }
0xa2: {  	v42 =	vmul.f32 v50, v42;
	v59 =	vadd.f32 v57, v11;
	v48 =	vsub.f32 $1.500000000e+00, v48  }
0xa3: {  	v28 =	vmul.f32 v25, v28;
	v26 =	vadd.f32 v34, v49;
	v34 =	vadd.f32 v63, v9  }
0xa4: {  	v45 =	vld.idx.msk [tilespmem:v45+s18+$0x0], $0xffff;
	v23 =	vadd.f32 v23, v52;
	v49 =	vmul.f32 v30, v58;
	v25 =	vadd.f32 v37, v59  }
0xa5: {  	v52 =	vld [tilespmem:s13+$0xFFFFFFE0];
	v48 =	vmul.f32 v55, v48;
	v55 =	vmul.f32 v26, v26;
	v30 =	vadd.f32 v47, v34  }
0xa6: {  	v41 =	vadd.f32 v46, v41;
	v37 =	vld [tilespmem:s15+$0xFFFFFFE0];
	v60 =	vmul.f32 v23, v23;
	v62 =	vmul.f32 v25, v25  }
0xa7: {  	v51 =	vld [tilespmem:s13+$0xFFFFFFC0];
	v63 =	vadd.f32 v25, v23;
	v61 =	vmul.f32 v48, v53;
	v58 =	vadd.f32 v30, v26  }
0xa8: {  	v59 =	vld [tilespmem:s15+$0xFFFFFFD0];
	v47 =	vsub.f32 v24, v31;
	v24 =	vmul.f32 v49, v44;
	v46 =	vmul.f32 v30, v30  }
0xa9: {  	v34 =	vadd.f32 v62, v60;
	v56 =	vmul.f32 v61, v48;
	v57 =	vadd.f32 v63, v58;
	v58 =	vld [tilespmem:s15+$0xFFFFFFC0]  }
0xaa: {  	v31 =	vld [tilespmem:s13+$0xFFFFFFD0];
	v60 =	vmul.f32 v24, v49;
	v24 =	vsub.f32 v27, v36;
	v62 =	vadd.f32 v28, v6  }
0xab: {  	v50 =	vmul.f32 v20, v20;
	v27 =	vld [tilespmem:s15+$0xFFFFFFF0];
	v37 =	vadd.f32 v52, v37;
	v56 =	vsub.f32 $1.500000000e+00, v56  }
0xac: {  	v46 =	vadd.f32 v46, v55;
	v55 =	vld [tilespmem:s13+$0xFFFFFFF0];
	v28 =	vsub.f32 $1.500000000e+00, v60;
	v60 =	vmul.f32 v45, v12;
	(xrf2) =	vadd.scan.msk.f32 $0xffff, v57  }
0xad: {  	v61 =	vadd.f32 v42, v5;
	v63 =	vmul.f32 v45, v13;
	v48 =	vmul.f32 v56, v48  }
0xae: {  	v56 =	vmul.f32 v35, v3;
	v35 =	vadd.f32 v60, v8;
	v51 =	vadd.f32 v51, v58  }
0xaf: {  	v31 =	vadd.f32 v31, v59;
	v42 =	vmul.f32 v28, v49;
	v63 =	vadd.f32 v63, v9  }
0xb0: {  	v60 =	vmul.f32 v45, v14;
	v45 =	vmul.f32 v45, v15;
	v28 =	vadd.f32 v51, v35  }
0xb1: {  	v52 =	vadd.f32 v55, v27;
	v27 =	vadd.f32 v31, v63;
	v53 =	vmul.f32 v48, v53  }
0xb2: {  	v31 =	vmul.f32 v42, v44;
	v58 =	vadd.f32 v60, v10;
	v59 =	vmul.f32 v28, v28  }
0xb3: {  	(xrf2) =	vadd.scan.msk.f32 $0xffff, v41;
	v41 =	vadd.f32 v34, v46;
	v49 =	vmul.f32 v27, v27;
	v53 =	vmul.f32 v53, v48  }
0xb4: {  	v63 =	vmul.f32 v31, v42;
	v31 =	vadd.f32 v37, v58;
	v58 =	vadd.f32 v45, v11  }
0xb5: {  	v43 =	vadd.f32 v50, v43;
	v60 =	vsub.f32 $1.500000000e+00, v53  }
0xb6: {  	v57 =	vmul.f32 v56, v29;
	v34 =	vadd.f32 v52, v58;
	v29 =	vadd.f32 v49, v59;
	v59, _, _ =	vpop (xrf2);
	(xrf2) =	vadd.scan.msk.f32 $0xffff, v41  }
0xb7: {  	s20 =	simm.s32 $0xD140;
	v33 =	vsub.f32 v33, v36;
	v53 =	vadd.f32 v43, v32;
	v55 =	vmul.f32 v60, v48  }
0xb8: {  	v40 =	vadd.f32 v40, v4;
	[tilespmem:s20+$0x10] =	vst v61;
	v32 =	vmul.f32 v31, v31;
	v37 =	vmul.f32 v34, v34  }
0xb9: {  	v61 =	vadd.f32 v57, v7;
	v46 =	vmul.f32 v55, v0;
	v48 =	vmul.f32 v55, v1;
	(xrf2) =	vadd.scan.msk.f32 $0xffff, v53  }
0xba: {  	v35 =	vadd.f32 v27, v28;
	v60 =	vmul.f32 v55, v3;
	v43 =	vmul.f32 v55, v2  }
0xbb: {  	[tilespmem:s20+$0x0] =	vst v40;
	v44 =	vsub.f32 $1.500000000e+00, v63;
	v63 =	vmul.f32 v46, v54;
	v47 =	vmul.f32 v48, v47  }
0xbc: {  	[tilespmem:s20+$0x20] =	vst v62;
	v40 =	vadd.f32 v34, v31;
	v45 =	vmul.f32 $1.562500000e-02, v59;
	v43 =	vmul.f32 v43, v38  }
0xbd: {  	s16 =	simm.s32 $0xD1C0;
	s21 =	simm.s32 $0x6;
	s17 =	simm.s32 $0xD1C0;
	[tilespmem:s20+$0x30] =	vst v61;
	v39 =	vmul.f32 v60, v39;
	v46, _, _ =	vpop (xrf2);
	v41 =	vadd.f32 v63, v4;
	v38 =	vadd.f32 v47, v5  }
.LBB2_3:
0xbe: {  	s9 =	sadd.s32 $0x1, s21  }
0xbf: {  	v36 =	vbroadcast v45, $0xF;
	v42 =	vmul.f32 v44, v42;
	s16 =	sadd.s32 $0x80, s16;
	v43 =	vadd.f32 v43, v6;
	s22 =	smov.u32 s21;
	s8 =	sadd.s32 $0x2, s21  }
0xc0: {  	p1 =	slt.u32 s21, $0xC6;
	v46 =	vmul.f32 $1.562500000e-02, v46;
	v44 =	vmov s9;
	v47, _, _ =	vpop (xrf2);
	[tilespmem:s20+$0xFFFFFFC0] =	vst v41;
	v39 =	vadd.f32 v39, v7  }
0xc1: {  	v45 =	vmul.f32 v45, v45;
	v41 =	vand.u32 $0xFF, v44;
	v49 =	vmul.f32 $1.562500000e-02, v47;
	[tilespmem:s20+$0xFFFFFFD0] =	vst v38  }
0xc2: {  	s13 =	sadd.s32 $0x80, s13;
	v30 =	vsub.f32 v30, v36;
	v38 =	vor.u32 v16, v41;
	v41 =	vmul.f32 v42, v0;
	[tilespmem:s20+$0xFFFFFFF0] =	vst v39  }
0xc3: {  	s15 =	sadd.s32 $0x80, s15;
	v39 =	vmul.f32 v46, v46;
	v47 =	vbroadcast v38, $0x0;
	v48 =	vld [tilespmem:s13+$0x30];
	v38 =	vsub.f32 v49, v45;
	v44, _, _ =	vpop (xrf2);
	[tilespmem:s20+$0xFFFFFFE0] =	vst v43;
	s20 =	smov.u32 s17;
	s17 =	smov.u32 s16  }
0xc4: {  	v26 =	vsub.f32 v26, v36;
	v43 =	vbroadcast v46, $0xF;
	v45 =	vld [tilespmem:s15+$0x30];
	v44 =	vmul.f32 $1.562500000e-02, v44  }
0xc5: {  	v51 =	vmul.f32 v42, v1;
	v50 =	vmul.f32 v41, v22;
	v46 =	vld [tilespmem:s13+$0x10];
	v49 =	vadd.f32 $9.999999740e-06, v38  }
0xc6: {  	v53 =	vmul.f32 v42, v2;
	v22 =	vmovc v26;
	v38 =	vsub.f32 v19, v43;
	v52 =	vld [tilespmem:s15+$0x10];
	v44 =	vsub.f32 v44, v39  }
0xc7: {  	v41 =	vsub.f32 v18, v43;
	v18 =	vmovc v28;
	v19 =	vmovc v31;
	v39 =	vsub.f32 v20, v43;
	v26 =	vld [tilespmem:s13+$0x0];
	v49 =	vbroadcast v49, $0xF  }
0xc8: {  	v43 =	vsub.f32 v17, v43;
	v17 =	vmovc v27;
	v28 =	vld [tilespmem:s15+$0x0];
	v31 =	vadd.f32 $9.999999740e-06, v44;
	v44 =	vmul.f32 v51, v21;
	v21 =	vmovc v30  }
0xc9: {  	v20 =	vmovc v34;
	v27 =	vld.idx.msk [tilespmem:v47+s18+$0x0], $0xffff;
	v30 =	vshrl.u32 v49, $0x1;
	v47 =	vmul.f32 $5.000000000e-01, v49;
	v49 =	vadd.f32 v50, v4  }
0xca: {  	v34 =	vld [tilespmem:s13+$0x20];
	v30 =	vsub.s32 $0x5F3759DF, v30;
	v31 =	vbroadcast v31, $0xF;
	v44 =	vadd.f32 v44, v5  }
0xcb: {  	v25 =	vsub.f32 v25, v36;
	v42 =	vmul.f32 v42, v3;
	v50 =	vld [tilespmem:s15+$0x20];
	v51 =	vmul.f32 v30, v47;
	[tilespmem:s20+$0x0] =	vst v49  }
0xcc: {  	v45 =	vadd.f32 v48, v45;
	v48 =	vshrl.u32 v31, $0x1;
	v31 =	vmul.f32 $5.000000000e-01, v31;
	[tilespmem:s20+$0x10] =	vst v44  }
0xcd: {  	v44 =	vmov s22;
	v26 =	vadd.f32 v26, v28;
	v28 =	vsub.s32 $0x5F3759DF, v48  }
0xce: {  	v46 =	vadd.f32 v46, v52;
	v44 =	vand.u32 $0xFE, v44;
	v48 =	vmul.f32 v28, v31  }
0xcf: {  	v52 =	vmul.f32 v42, v24;
	v24 =	vmovc v25;
	v44 =	vor.u32 v16, v44;
	v49 =	vmul.f32 v27, v12  }
0xd0: {  	v25 =	vadd.f32 v34, v50;
	v34 =	vmul.f32 v27, v14;
	v42 =	vmul.f32 v28, v48  }
0xd1: {  	v44 =	vbroadcast v44, $0x0;
	v48 =	vadd.f32 v49, v8;
	v49 =	vmul.f32 v30, v51  }
0xd2: {  	v50 =	vmul.f32 v27, v15;
	v34 =	vadd.f32 v34, v10;
	v42 =	vsub.f32 $1.500000000e+00, v42  }
0xd3: {  	v27 =	vmul.f32 v27, v13;
	v26 =	vadd.f32 v26, v48;
	v48 =	vsub.f32 $1.500000000e+00, v49;
	v51 =	vld [tilespmem:s13+$0xFFFFFFC0]  }
0xd4: {  	v33 =	vmul.f32 v53, v33;
	v49 =	vld [tilespmem:s13+$0xFFFFFFE0];
	v54 =	vadd.f32 v25, v34;
	v28 =	vmul.f32 v28, v42  }
0xd5: {  	v25 =	vadd.f32 v50, v11;
	v42 =	vmul.f32 v26, v26;
	v48 =	vmul.f32 v30, v48;
	v34 =	vld [tilespmem:s15+$0xFFFFFFE0]  }
0xd6: {  	v27 =	vadd.f32 v27, v9;
	v50 =	vld [tilespmem:s13+$0xFFFFFFD0];
	v53 =	vmul.f32 v54, v54;
	v55 =	vmul.f32 v28, v31  }
0xd7: {  	v33 =	vadd.f32 v33, v6;
	v25 =	vadd.f32 v45, v25;
	v45 =	vmul.f32 v48, v47;
	v44 =	vld.idx.msk [tilespmem:v44+s18+$0x0], $0xffff  }
0xd8: {  	v30 =	vadd.f32 v46, v27;
	v27 =	vadd.f32 v40, v35;
	v56 =	vld [tilespmem:s15+$0xFFFFFFD0];
	v35 =	vmul.f32 v55, v28  }
0xd9: {  	v46 =	vadd.f32 v25, v54;
	v55 =	vmul.f32 v25, v25;
	v45 =	vmul.f32 v45, v48;
	v40 =	vld [tilespmem:s15+$0xFFFFFFC0];
	[tilespmem:s20+$0x20] =	vst v33  }
0xda: {  	v57 =	vadd.f32 v30, v26;
	v58 =	vmul.f32 v30, v30;
	v33 =	vld [tilespmem:s13+$0xFFFFFFF0];
	v35 =	vsub.f32 $1.500000000e+00, v35  }
0xdb: {  	v53 =	vadd.f32 v55, v53;
	v45 =	vsub.f32 $1.500000000e+00, v45;
	v59 =	vld [tilespmem:s15+$0xFFFFFFF0]  }
0xdc: {  	v46 =	vadd.f32 v46, v57;
	v55 =	vadd.f32 v58, v42;
	v57 =	vmul.f32 v35, v28  }
0xdd: {  	v34 =	vadd.f32 v49, v34;
	v28 =	vmul.f32 v44, v12;
	v35 =	vadd.f32 v50, v56  }
0xde: {  	v49 =	vmul.f32 v44, v13;
	v40 =	vadd.f32 v51, v40;
	(xrf2) =	vadd.scan.msk.f32 $0xffff, v46;
	v31 =	vmul.f32 v57, v31  }
0xdf: {  	v42 =	vmul.f32 v45, v48;
	v28 =	vadd.f32 v28, v8;
	v46 =	vmul.f32 v44, v14  }
0xe0: {  	v45 =	vadd.f32 v49, v9;
	v33 =	vadd.f32 v33, v59;
	v31 =	vmul.f32 v31, v57  }
0xe1: {  	v32 =	vadd.f32 v37, v32;
	v28 =	vadd.f32 v40, v28;
	v40 =	vmul.f32 v44, v15;
	(xrf2) =	vadd.scan.msk.f32 $0xffff, v27  }
0xe2: {  	v37 =	vadd.f32 v53, v55;
	v44 =	vmul.f32 v42, v47;
	v27 =	vadd.f32 v35, v45  }
0xe3: {  	v45 =	vadd.f32 v46, v10;
	v46 =	vmul.f32 v28, v28;
	v47 =	vsub.f32 $1.500000000e+00, v31  }
0xe4: {  	v35 =	vadd.f32 v27, v28;
	v48 =	vmul.f32 v27, v27;
	(xrf2) =	vadd.scan.msk.f32 $0xffff, v37;
	v37 =	vmul.f32 v44, v42  }
0xe5: {  	v31 =	vadd.f32 v34, v45;
	v34 =	vadd.f32 v32, v29;
	v47 =	vmul.f32 v47, v57  }
0xe6: {  	v29 =	vadd.f32 v48, v46;
	v44 =	vsub.f32 $1.500000000e+00, v37  }
0xe7: {  	v32 =	vmul.f32 v31, v31;
	v37 =	vadd.f32 v40, v11;
	v40 =	vmul.f32 v47, v0;
	(xrf2) =	vadd.scan.msk.f32 $0xffff, v34  }
.Ltmp0:
0xe8: {  	v49 =	vadd.f32 v52, v7;
	v50 =	vmul.f32 v47, v1;
	v48 =	vmul.f32 v47, v3;
	v45, _, _ =	vpop (xrf2);
	(pc) =	sbr.rel @p1 .LBB2_3-.Ltmp0, $4  }
0xe9: {  	v47 =	vmul.f32 v47, v2;
	v34 =	vadd.f32 v33, v37;
	v45 =	vmul.f32 $1.562500000e-02, v45  }
0xea: {  	v33 =	vsub.f32 v23, v36;
	v51 =	vmul.f32 v40, v41;
	v36 =	vmul.f32 v50, v43;
	[tilespmem:s20+$0x30] =	vst v49  }
0xeb: {  	v43 =	vmul.f32 v47, v38;
	v40 =	vadd.f32 v34, v31;
	v37 =	vmul.f32 v34, v34;
	v46, _, _ =	vpop (xrf2)  }
0xec: {  	s21 =	smov.u32 s8;
	v39 =	vmul.f32 v48, v39;
	v23 =	vmovc v54;
	v41 =	vadd.f32 v51, v4;
	v38 =	vadd.f32 v36, v5  }
0xed: {  	_ = 	snop  }
0xee: {  	v35 =	vadd.f32 v40, v35;
	v32 =	vadd.f32 v37, v32;
	_ =	sdelay $0x1  }
0xef: {  	v36 =	vmul.f32 $1.562500000e-02, v46;
	v16, _, _ =	vpop (xrf2);
	(xrf2) =	vadd.scan.msk.f32 $0xffff, v35;
	v29 =	vadd.f32 v32, v29  }
0xf0: {  	v58 =	vmul.f32 v45, v45;
	v16 =	vmul.f32 $1.562500000e-02, v16;
	v55, _, _ =	vpop (xrf2)  }
0xf1: {  	v56 =	vmul.f32 v36, v36;
	(xrf2) =	vadd.scan.msk.f32 $0xffff, v29;
	v37 =	vmul.f32 $1.562500000e-02, v55  }
0xf2: {  	v16 =	vsub.f32 v16, v58  }
0xf3: {  	v57 =	vsub.f32 v37, v56  }
0xf4: {  	v16 =	vadd.f32 $9.999999740e-06, v16  }
0xf5: {  	v29 =	vadd.f32 $9.999999740e-06, v57  }
0xf6: {  	v16 =	vbroadcast v16, $0xF  }
0xf7: {  	v29 =	vbroadcast v29, $0xF  }
0xf8: {  	v47 =	vshrl.u32 v16, $0x1  }
0xf9: {  	v16 =	vmul.f32 $5.000000000e-01, v16;
	v61, _, _ =	vpop (xrf2);
	v59 =	vshrl.u32 v29, $0x1;
	v29 =	vmul.f32 $5.000000000e-01, v29  }
0xfa: {  	v47 =	vsub.s32 $0x5F3759DF, v47;
	v37 =	vmul.f32 $1.562500000e-02, v61;
	v32 =	vsub.s32 $0x5F3759DF, v59  }
0xfb: {  	v48 =	vmul.f32 v47, v16;
	v62, _, _ =	vpop (xrf2);
	v60 =	vmul.f32 v32, v29  }
0xfc: {  	v63 =	vmul.f32 v37, v37;
	v40 =	vmul.f32 $1.562500000e-02, v62  }
0xfd: {  	v35 =	vmul.f32 v32, v60  }
0xfe: {  	v50 =	vmul.f32 v47, v48;
	v40 =	vsub.f32 v40, v63  }
0xff: {  	v35 =	vsub.f32 $1.500000000e+00, v35  }
0x100: {  	v49 =	vadd.f32 $9.999999740e-06, v40;
	v40 =	vsub.f32 $1.500000000e+00, v50  }
0x101: {  	v32 =	vmul.f32 v32, v35  }
0x102: {  	v35 =	vbroadcast v49, $0xF;
	v40 =	vmul.f32 v47, v40  }
0x103: {  	v51 =	vmul.f32 v32, v29  }
0x104: {  	v48 =	vshrl.u32 v35, $0x1;
	v35 =	vmul.f32 $5.000000000e-01, v35;
	v49 =	vmul.f32 v40, v16  }
0x105: {  	v42 =	vmul.f32 v44, v42;
	v52 =	vsub.s32 $0x5F3759DF, v48;
	v46 =	vmul.f32 v51, v32  }
0x106: {  	v53 =	vmul.f32 v52, v35;
	v56 =	vmul.f32 v49, v40  }
0x107: {  	v45 =	vbroadcast v45, $0xF;
	v54 =	vmul.f32 v42, v0;
	v46 =	vsub.f32 $1.500000000e+00, v46  }
0x108: {  	v36 =	vbroadcast v36, $0xF;
	v55 =	vmul.f32 v52, v53;
	v47 =	vsub.f32 $1.500000000e+00, v56  }
0x109: {  	v43 =	vadd.f32 v43, v6;
	v22 =	vmul.f32 v54, v22;
	v32 =	vmul.f32 v46, v32  }
0x10a: {  	v58 =	vmul.f32 v42, v2;
	v46 =	vsub.f32 $1.500000000e+00, v55;
	v40 =	vmul.f32 v47, v40  }
0x10b: {  	v39 =	vadd.f32 v39, v7;
	v57 =	vmul.f32 v42, v1;
	v29 =	vmul.f32 v32, v29  }
0x10c: {  	v30 =	vsub.f32 v30, v45;
	v44 =	vmul.f32 v52, v46;
	v16 =	vmul.f32 v40, v16  }
0x10d: {  	v26 =	vsub.f32 v26, v45;
	v21 =	vmul.f32 v57, v21;
	v29 =	vmul.f32 v29, v32  }
0x10e: {  	v25 =	vsub.f32 v25, v45;
	v46 =	vmul.f32 v44, v35;
	v16 =	vmul.f32 v16, v40  }
0x10f: {  	v33 =	vmul.f32 v58, v33;
	v21 =	vadd.f32 v21, v5;
	v29 =	vsub.f32 $1.500000000e+00, v29  }
0x110: {  	v59 =	vmul.f32 v42, v3;
	v60 =	vmul.f32 v46, v44;
	v16 =	vsub.f32 $1.500000000e+00, v16  }
0x111: {  	v19 =	vsub.f32 v19, v36;
	[tilespmem:s17+$0x10] =	vst v21;
	v21 =	vbroadcast v37, $0xF;
	v29 =	vmul.f32 v29, v32  }
0x112: {  	v24 =	vmul.f32 v59, v24;
	v32 =	vsub.f32 $1.500000000e+00, v60;
	v16 =	vmul.f32 v16, v40  }
0x113: {  	v22 =	vadd.f32 v22, v4;
	v61 =	vmul.f32 v29, v0;
	v62 =	vmul.f32 v29, v1  }
0x114: {  	v18 =	vsub.f32 v18, v36;
	v63 =	vmul.f32 v29, v3;
	v32 =	vmul.f32 v32, v44  }
0x115: {  	v17 =	vsub.f32 v17, v36;
	[tilespmem:s17+$0x0] =	vst v22;
	v29 =	vmul.f32 v29, v2;
	v22 =	vmul.f32 v16, v0  }
0x116: {  	v20 =	vsub.f32 v20, v36;
	v18 =	vmul.f32 v61, v18;
	v35 =	vmul.f32 v32, v35  }
0x117: {  	[tilespmem:s20+$0xFFFFFFC0] =	vst v41;
	v24 =	vadd.f32 v24, v7;
	v17 =	vmul.f32 v62, v17;
	v19 =	vmul.f32 v29, v19  }
0x118: {  	[tilespmem:s20+$0xFFFFFFD0] =	vst v38;
	v23 =	vsub.f32 v23, v45;
	v20 =	vmul.f32 v63, v20;
	v29 =	vmul.f32 v35, v32  }
0x119: {  	[tilespmem:s17+$0x30] =	vst v24;
	v24 =	vmul.f32 v16, v1;
	v18 =	vadd.f32 v18, v4;
	v17 =	vadd.f32 v17, v5  }
0x11a: {  	[tilespmem:s20+$0xFFFFFFE0] =	vst v43;
	v22 =	vmul.f32 v22, v26;
	v20 =	vadd.f32 v20, v7;
	v26 =	vsub.f32 $1.500000000e+00, v29  }
0x11b: {  	v29 =	vsub.f32 v31, v21;
	v31 =	vmul.f32 v16, v2;
	[tilespmem:s17+$0xFFFFFFC0] =	vst v18;
	v18 =	vsub.f32 v28, v21  }
0x11c: {  	v28 =	vsub.f32 v34, v21;
	[tilespmem:s17+$0xFFFFFFD0] =	vst v17;
	v17 =	vsub.f32 v27, v21;
	v21 =	vmul.f32 v24, v30  }
0x11d: {  	[tilespmem:s20+$0xFFFFFFF0] =	vst v39;
	v19 =	vadd.f32 v19, v6;
	v16 =	vmul.f32 v16, v3;
	v26 =	vmul.f32 v26, v32  }
0x11e: {  	v33 =	vadd.f32 v33, v6;
	[tilespmem:s17+$0xFFFFFFF0] =	vst v20;
	v20 =	vadd.f32 v22, v4;
	v22 =	vmul.f32 v31, v23  }
0x11f: {  	[tilespmem:s17+$0xFFFFFFE0] =	vst v19;
	v19 =	vadd.f32 v21, v5;
	v16 =	vmul.f32 v16, v25;
	v23 =	vmul.f32 v26, v0  }
0x120: {  	s8 =	sadd.s32 $0x80, s16;
	[tilespmem:s17+$0x20] =	vst v33;
	v21 =	vmul.f32 v26, v1  }
0x121: {  	[tilespmem:s8+$0x10] =	vst v19;
	v16 =	vadd.f32 v16, v7;
	v19 =	vmul.f32 v26, v2;
	v18 =	vmul.f32 v23, v18  }
0x122: {  	[tilespmem:s8+$0x0] =	vst v20;
	v20 =	vadd.f32 v22, v6;
	v22 =	vmul.f32 v26, v3;
	v17 =	vmul.f32 v21, v17  }
0x123: {  	[tilespmem:s8+$0x30] =	vst v16;
	v16 =	vmul.f32 v19, v29;
	v18 =	vadd.f32 v18, v4  }
0x124: {  	[tilespmem:s8+$0x20] =	vst v20;
	v20 =	vmul.f32 v22, v28;
	v17 =	vadd.f32 v17, v5  }
0x125: {  	s3 =	sadd.s32 s6, s3;
	v16 =	vadd.f32 v16, v6;
	[tilespmem:s8+$0xFFFFFFC0] =	vst v18  }
0x126: {  	s3 =	smul.u32 $0x640, s3;
	v18 =	vadd.f32 v20, v7;
	[tilespmem:s8+$0xFFFFFFD0] =	vst v17  }
0x127: {  	p1 =	seq.s32 s0, $0xF;
	[tilespmem:s8+$0xFFFFFFE0] =	vst v16  }
0x128: {  	s3 =	sadd.s32 s4, s3;
	[tilespmem:s8+$0xFFFFFFF0] =	vst v18;
	s8 =	smul.u32 @!p1 $0x680, s0  }
0x129: {  	[hbm4b:s3+s5] =	stream.linear.scatter [tilespmem:s26], [sflag:$0x3], $0x3200, $0x38;
	[tilespmem:$0x13500] =	vst v63  }
0x12a: {  	s3 =	sshra.s32 @!p1 s8, $0x2  }
0x12b: {  	s9 =	simm.s32 @!p1 $0x64;
	s13 =	simm.s32 @!p1 $0x6D00;
	s8 =	sadd.s32 @!p1 $0x1A0, s3  }
0x12c: {  	[tilespmem:s13], [sflag:$0x1] =	stream.indirect.gather @!p1 [hbm4b:s7+s9], $0x40, s8, s9, $0xb8;
	[tilespmem:$0x13500] =	vst v63  }
0x12d: {  	s3 =	sadd.s32 @!p1 $0x208, s3;
	s8 =	simm.s32 @!p1 $0x8600  }
0x12e: {  	[tilespmem:s8], [sflag:$0x1] =	stream.indirect.gather @!p1 [hbm4b:s7+s9], $0x40, s3, s9, $0xb8;
	[tilespmem:$0x13500] =	vst v63  }
0x12f: {  	_ =	swait.ge [sflag:s28], $0x1900  }
0x130: {  	[sflag:s28] =	ssyncset.done $0x0  }
0x131: {  	[sflag:s28] =	ssyncadd.s32 $0xFFFFE700  }
0x132: {  	_ =	swait.ge [sflag:s28], $0x1900  }
0x133: {  	[sflag:s28] =	ssyncset.done $0x0  }
0x134: {  	s17 =	simm.s32 $0x1;
	s3 =	simm.s32 @!p0 $0x4;
	[sflag:s28] =	ssyncadd.s32 $0xFFFFE700  }
0x135: {  	s20 =	sshll.u32 s1, $0x8;
	v17 =	vmov s17;
	_ =	swait.ge @!p0 [sflag:s3], $0x3200  }
0x136: {  	v16 =	vmov s20;
	v17 =	vand.u32 $0xFF, v17;
	[sflag:s3] =	ssyncset.done @!p0 $0x0  }
0x137: {  	s21 =	simm.s32 $0x3A40;
	v17 =	vor.u32 v16, v17;
	[sflag:s3] =	ssyncadd.s32 @!p0 $0xFFFFCE00  }
0x138: {  	s22 =	simm.s32 $0x9F40;
	v17 =	vbroadcast v17, $0x0;
	v18 =	vld [tilespmem:s21+$0x30]  }
0x139: {  	v19 =	vld [tilespmem:s22+$0x30]  }
0x13a: {  	v20 =	vld [tilespmem:s21+$0x10]  }
0x13b: {  	v21 =	vld [tilespmem:s22+$0x10]  }
0x13c: {  	v22 =	vld [tilespmem:s21+$0x0]  }
0x13d: {  	v23 =	vld [tilespmem:s22+$0x0]  }
0x13e: {  	v17 =	vld.idx.msk [tilespmem:v17+s18+$0x0], $0xffff  }
0x13f: {  	v24 =	vld [tilespmem:s21+$0x20]  }
0x140: {  	v25 =	vld [tilespmem:s22+$0x20];
	_ =	sdelay $0x2  }
0x141: {  	v19 =	vadd.f32 v18, v19  }
0x142: {  	v18 =	vadd.f32 v22, v23;
	v21 =	vadd.f32 v20, v21;
	v20 =	vmul.f32 v17, v12  }
0x143: {  	v22 =	vmul.f32 v17, v14;
	v23 =	vadd.f32 v24, v25;
	v24 =	vmul.f32 v17, v15  }
0x144: {  	v17 =	vmul.f32 v17, v13;
	v20 =	vadd.f32 v20, v8  }
0x145: {  	v22 =	vadd.f32 v22, v10;
	v24 =	vadd.f32 v24, v11  }
0x146: {  	v25 =	vadd.f32 v17, v9;
	v18 =	vadd.f32 v18, v20  }
0x147: {  	v20 =	vadd.f32 v23, v22;
	v17 =	vadd.f32 v19, v24  }
0x148: {  	v19 =	vadd.f32 v21, v25;
	v21 =	vmul.f32 v18, v18  }
0x149: {  	v22 =	vmul.f32 v20, v20;
	v23 =	vmul.f32 v17, v17  }
0x14a: {  	v24 =	vmul.f32 v19, v19;
	v25 =	vadd.f32 v17, v20;
	v26 =	vadd.f32 v19, v18  }
0x14b: {  	v22 =	vadd.f32 v23, v22  }
0x14c: {  	s15 =	simm.s32 $0x3;
	v21 =	vadd.f32 v24, v21;
	v23 =	vadd.f32 v25, v26  }
0x14d: {  	v29 =	vmov s15  }
0x14e: {  	v29 =	vand.u32 $0xFF, v29;
	v21 =	vadd.f32 v22, v21;
	(xrf2) =	vadd.scan.msk.f32 $0xffff, v23  }
0x14f: {  	v29 =	vor.u32 v16, v29;
	s13 =	simm.s32 $0x0;
	v27 =	vld [tilespmem:s22+$0xFFFFFFC0]  }
0x150: {  	v29 =	vbroadcast v29, $0x0;
	v30 =	vld [tilespmem:s21+$0xFFFFFFF0];
	v24 =	vmov s13;
	(xrf2) =	vadd.scan.msk.f32 $0xffff, v21  }
0x151: {  	s16 =	simm.s32 $0x3AC0;
	v46 =	vld [tilespmem:s22+$0xFFFFFFF0];
	v22 =	vand.u32 $0xFE, v24  }
0x152: {  	s17 =	simm.s32 $0x9FC0;
	v48 =	vld [tilespmem:s16+$0x30];
	v22 =	vor.u32 v16, v22  }
0x153: {  	v49 =	vld [tilespmem:s17+$0x30];
	v21 =	vbroadcast v22, $0x0  }
0x154: {  	v50 =	vld [tilespmem:s16+$0x10]  }
0x155: {  	v52 =	vld [tilespmem:s17+$0x10]  }
0x156: {  	v29 =	vld.idx.msk [tilespmem:v29+s18+$0x0], $0xffff  }
0x157: {  	v25 =	vld [tilespmem:s21+$0xFFFFFFD0]  }
0x158: {  	v26 =	vld [tilespmem:s22+$0xFFFFFFD0];
	v28, _, _ =	vpop (xrf2)  }
0x159: {  	v21 =	vld.idx.msk [tilespmem:v21+s18+$0x0], $0xffff;
	v28 =	vmul.f32 $1.562500000e-02, v28  }
0x15a: {  	s20 =	simm.s32 $0x2;
	v22 =	vld [tilespmem:s21+$0xFFFFFFC0];
	v31, _, _ =	vpop (xrf2)  }
0x15b: {  	v56 =	vmov s20;
	v23 =	vld [tilespmem:s21+$0xFFFFFFE0];
	v31 =	vmul.f32 $1.562500000e-02, v31;
	v47 =	vmul.f32 v28, v28  }
0x15c: {  	v35 =	vand.u32 $0xFE, v56;
	v30 =	vadd.f32 v30, v46;
	v34 =	vadd.f32 v48, v49;
	v24 =	vld [tilespmem:s22+$0xFFFFFFE0]  }
0x15d: {  	v35 =	vor.u32 v16, v35;
	v37 =	vadd.f32 v50, v52;
	v31 =	vsub.f32 v31, v47  }
0x15e: {  	v57 =	vmul.f32 v29, v12;
	v25 =	vadd.f32 v25, v26;
	v26 =	vmul.f32 v21, v13  }
0x15f: {  	v58 =	vmul.f32 v29, v15;
	v22 =	vadd.f32 v22, v27;
	v27 =	vadd.f32 $9.999999740e-06, v31  }
0x160: {  	v33 =	vadd.f32 v57, v8;
	v51 =	vmul.f32 v21, v12;
	v26 =	vadd.f32 v26, v9  }
0x161: {  	v53 =	vld [tilespmem:s17+$0x0];
	v23 =	vadd.f32 v23, v24;
	v54 =	vmul.f32 v21, v14;
	v27 =	vbroadcast v27, $0xF  }
0x162: {  	v21 =	vmul.f32 v21, v15;
	v36 =	vadd.f32 v51, v8;
	v24 =	vadd.f32 v25, v26;
	v26 =	vld [tilespmem:s16+$0x20]  }
0x163: {  	v25 =	vadd.f32 v54, v10;
	v55 =	vshrl.u32 v27, $0x1;
	v39 =	vmul.f32 $5.000000000e-01, v27;
	v27 =	vld [tilespmem:s17+$0x20]  }
0x164: {  	v28 =	vbroadcast v28, $0xF;
	v31 =	vld [tilespmem:s16+$0x0];
	v22 =	vadd.f32 v22, v36;
	v36 =	vsub.s32 $0x5F3759DF, v55  }
0x165: {  	v38 =	vadd.f32 v58, v11;
	v25 =	vadd.f32 v23, v25;
	v23 =	vmul.f32 v36, v39  }
0x166: {  	v35 =	vbroadcast v35, $0x0;
	v21 =	vadd.f32 v21, v11;
	v42 =	vsub.f32 v19, v28  }
0x167: {  	v32 =	vadd.f32 v24, v22;
	v59 =	vmul.f32 v22, v22;
	v23 =	vmul.f32 v36, v23  }
0x168: {  	v60 =	vmul.f32 v24, v24;
	v26 =	vadd.f32 v26, v27;
	v27 =	vmul.f32 v29, v14  }
0x169: {  	v31 =	vadd.f32 v31, v53;
	v29 =	vmul.f32 v29, v13;
	v23 =	vsub.f32 $1.500000000e+00, v23  }
0x16a: {  	v55 =	vadd.f32 v60, v59;
	v27 =	vadd.f32 v27, v10  }
0x16b: {  	v31 =	vadd.f32 v31, v33;
	v29 =	vadd.f32 v29, v9;
	v23 =	vmul.f32 v36, v23  }
0x16c: {  	v61 =	vmul.f32 v25, v25;
	v33 =	vadd.f32 v26, v27;
	v27 =	vadd.f32 v34, v38  }
0x16d: {  	v35 =	vld.idx.msk [tilespmem:v35+s18+$0x0], $0xffff;
	v26 =	vmul.f32 v31, v31;
	v29 =	vadd.f32 v37, v29;
	v53 =	vmul.f32 v23, v39  }
0x16e: {  	v54 =	vld [tilespmem:s17+$0xFFFFFFC0];
	v34 =	vadd.f32 v30, v21;
	v30 =	vmul.f32 v33, v33;
	v62 =	vmul.f32 v27, v27  }
0x16f: {  	v21 =	vld [tilespmem:s16+$0xFFFFFFC0];
	v63 =	vadd.f32 v27, v33;
	v48 =	vadd.f32 v29, v31;
	v49 =	vmul.f32 v29, v29  }
0x170: {  	v57 =	vld [tilespmem:s16+$0xFFFFFFE0];
	v50 =	vadd.f32 v34, v25;
	v51 =	vmul.f32 v34, v34;
	v30 =	vadd.f32 v62, v30  }
0x171: {  	v19 =	vld [tilespmem:s17+$0xFFFFFFE0];
	v36 =	vmul.f32 v53, v23;
	v37 =	vadd.f32 v63, v48;
	v26 =	vadd.f32 v49, v26  }
0x172: {  	v56 =	vld [tilespmem:s17+$0xFFFFFFD0];
	v32 =	vadd.f32 v50, v32;
	v58 =	vadd.f32 v51, v61  }
0x173: {  	v52 =	vld [tilespmem:s16+$0xFFFFFFD0];
	v36 =	vsub.f32 $1.500000000e+00, v36;
	(xrf2) =	vadd.scan.msk.f32 $0xffff, v37;
	v26 =	vadd.f32 v30, v26;
	v30 =	vmul.f32 v35, v12  }
0x174: {  	v44 =	vmul.f32 v35, v14;
	v21 =	vadd.f32 v21, v54;
	(xrf2) =	vadd.scan.msk.f32 $0xffff, v32  }
0x175: {  	v23 =	vmul.f32 v36, v23;
	(xrf2) =	vadd.scan.msk.f32 $0xffff, v26;
	v26 =	vadd.f32 v58, v55;
	v30 =	vadd.f32 v30, v8  }
0x176: {  	v45 =	vadd.f32 v44, v10;
	v19 =	vadd.f32 v57, v19;
	v59 =	vld [tilespmem:s16+$0xFFFFFFF0];
	v60 =	vmul.f32 v35, v13  }
0x177: {  	v61 =	vld [tilespmem:s17+$0xFFFFFFF0];
	(xrf2) =	vadd.scan.msk.f32 $0xffff, v26;
	v26 =	vsub.f32 v18, v28;
	v18 =	vadd.f32 v21, v30;
	v21 =	vmul.f32 v23, v39  }
0x178: {  	s3 =	simm.s32 $0x3B40;
	v62 =	vadd.f32 v52, v56;
	v63 =	vadd.f32 v60, v9  }
0x179: {  	s13 =	simm.s32 $0xA040;
	v19 =	vadd.f32 v19, v45;
	v45 =	vld [tilespmem:s3+$0x30];
	v35 =	vmul.f32 v35, v15;
	v21 =	vmul.f32 v21, v23  }
0x17a: {  	v30 =	vsub.f32 v17, v28;
	v17 =	vadd.f32 v62, v63;
	v63 =	vld [tilespmem:s13+$0x30]  }
0x17b: {  	v35 =	vadd.f32 v35, v11  }
0x17c: {  	s21 =	simm.s32 $0x5;
	v37 =	vadd.f32 v59, v61;
	v46 =	vmul.f32 v18, v18;
	v47 =	vmul.f32 v17, v17  }
0x17d: {  	v50 =	vmov s21;
	v28 =	vsub.f32 v20, v28;
	v48 =	vsub.f32 $1.500000000e+00, v21;
	v21, _, _ =	vpop (xrf2)  }
0x17e: {  	s22 =	simm.s32 $0x4;
	v40 =	vadd.f32 v17, v18;
	v32 =	vadd.f32 v47, v46;
	v49 =	vmul.f32 $1.562500000e-02, v21;
	v21, _, _ =	vpop (xrf2)  }
0x17f: {  	v45 =	vadd.f32 v45, v63;
	v63 =	vmov s22;
	v51, _, _ =	vpop (xrf2);
	v52 =	vmul.f32 $1.562500000e-02, v21  }
0x180: {  	v57 =	vld [tilespmem:s3+$0x10];
	v21 =	vand.u32 $0xFF, v50;
	v53 =	vmul.f32 $1.562500000e-02, v51;
	v54 =	vmul.f32 v49, v49  }
0x181: {  	v59 =	vld [tilespmem:s13+$0x10];
	v55 =	vor.u32 v16, v21;
	v21 =	vadd.f32 v37, v35;
	v35 =	vmul.f32 v48, v23  }
0x182: {  	v36 =	vbroadcast v49, $0xF;
	v56 =	vbroadcast v55, $0x0;
	v23, _, _ =	vpop (xrf2);
	v39 =	vsub.f32 v53, v54  }
0x183: {  	v46 =	vand.u32 $0xFE, v63;
	v62 =	vmul.f32 v52, v52;
	v23 =	vmul.f32 $1.562500000e-02, v23  }
0x184: {  	v46 =	vor.u32 v16, v46;
	v58 =	vmul.f32 v35, v0;
	v39 =	vadd.f32 $9.999999740e-06, v39  }
0x185: {  	v43 =	vsub.f32 v23, v62;
	v23 =	vsub.f32 v31, v36;
	v31 =	vbroadcast v52, $0xF  }
0x186: {  	v50 =	vld [tilespmem:s13+$0x0];
	v46 =	vbroadcast v46, $0x0;
	v48 =	vadd.f32 v57, v59;
	v44 =	vmul.f32 v58, v26  }
0x187: {  	v26 =	vbroadcast v39, $0xF;
	v60 =	vadd.f32 $9.999999740e-06, v43;
	v54 =	vsub.f32 v22, v31;
	v22 =	vld [tilespmem:s13+$0x20]  }
0x188: {  	v47 =	vadd.f32 v21, v19;
	v20 =	vsub.f32 v29, v36;
	v61 =	vmul.f32 v35, v1;
	v37 =	vld.idx.msk [tilespmem:v56+s18+$0x0], $0xffff  }
0x189: {  	v51 =	vshrl.u32 v26, $0x1;
	v52 =	vmul.f32 $5.000000000e-01, v26;
	v26 =	vld [tilespmem:s3+$0x20];
	v53 =	vbroadcast v60, $0xF  }
0x18a: {  	v29 =	vld [tilespmem:s3+$0x0];
	v33 =	vsub.f32 v33, v36;
	v42 =	vmul.f32 v61, v42;
	v40 =	vadd.f32 v47, v40  }
0x18b: {  	v38 =	vsub.f32 v25, v31;
	v55 =	vshrl.u32 v53, $0x1;
	v53 =	vmul.f32 $5.000000000e-01, v53  }
0x18c: {  	v25 =	vmul.f32 v35, v2;
	v39 =	vsub.f32 v34, v31;
	v55 =	vsub.s32 $0x5F3759DF, v55  }
0x18d: {  	v62 =	vsub.s32 $0x5F3759DF, v51;
	v56 =	vmul.f32 v55, v53;
	v57 =	vmul.f32 v37, v12  }
0x18e: {  	v51 =	vmul.f32 v62, v52;
	v22 =	vadd.f32 v26, v22;
	v26 =	vmul.f32 v37, v14  }
0x18f: {  	v29 =	vadd.f32 v29, v50;
	v50 =	vmul.f32 v55, v56;
	v49 =	vadd.f32 v57, v8  }
0x190: {  	v51 =	vmul.f32 v62, v51;
	v57 =	vmul.f32 v37, v15;
	v56 =	vadd.f32 v26, v10  }
0x191: {  	v50 =	vsub.f32 $1.500000000e+00, v50;
	v26 =	vadd.f32 v29, v49;
	v29 =	vmul.f32 v37, v13  }
0x192: {  	v28 =	vmul.f32 v25, v28;
	v58 =	vsub.f32 $1.500000000e+00, v51;
	v59 =	vadd.f32 v57, v11  }
0x193: {  	v46 =	vld.idx.msk [tilespmem:v46+s18+$0x0], $0xffff;
	v22 =	vadd.f32 v22, v56;
	v50 =	vmul.f32 v55, v50;
	v29 =	vadd.f32 v29, v9  }
0x194: {  	v51 =	vld [tilespmem:s3+$0xFFFFFFE0];
	v34 =	vmul.f32 v62, v58;
	v55 =	vmul.f32 v26, v26;
	v25 =	vadd.f32 v45, v59  }
0x195: {  	v37 =	vld [tilespmem:s13+$0xFFFFFFE0];
	v60 =	vmul.f32 v22, v22;
	v61 =	vmul.f32 v50, v53;
	v29 =	vadd.f32 v48, v29  }
0x196: {  	v49 =	vld [tilespmem:s3+$0xFFFFFFC0];
	v48 =	vsub.f32 v24, v31;
	v24 =	vmul.f32 v34, v52;
	v62 =	vmul.f32 v25, v25  }
0x197: {  	v59 =	vld [tilespmem:s13+$0xFFFFFFD0];
	v63 =	vadd.f32 v25, v22;
	v45 =	vmul.f32 v61, v50;
	v58 =	vadd.f32 v29, v26  }
0x198: {  	v31 =	vld [tilespmem:s3+$0xFFFFFFD0];
	v43 =	vadd.f32 v62, v60;
	v60 =	vmul.f32 v24, v34;
	v24 =	vsub.f32 v27, v36  }
0x199: {  	v47 =	vmul.f32 v29, v29;
	v27 =	vld [tilespmem:s13+$0xFFFFFFF0];
	v57 =	vadd.f32 v63, v58;
	v45 =	vsub.f32 $1.500000000e+00, v45  }
0x19a: {  	v41 =	vmul.f32 v19, v19;
	v37 =	vadd.f32 v51, v37;
	v61 =	vadd.f32 v42, v5;
	v58 =	vld [tilespmem:s13+$0xFFFFFFC0]  }
0x19b: {  	v62 =	vadd.f32 v28, v6;
	v47 =	vadd.f32 v47, v55;
	v55 =	vld [tilespmem:s3+$0xFFFFFFF0];
	v45 =	vmul.f32 v45, v50;
	(xrf2) =	vadd.scan.msk.f32 $0xffff, v57  }
0x19c: {  	v28 =	vsub.f32 $1.500000000e+00, v60;
	v60 =	vmul.f32 v46, v12;
	v63 =	vmul.f32 v46, v13  }
0x19d: {  	v31 =	vadd.f32 v31, v59;
	v50 =	vmul.f32 v35, v3;
	v53 =	vmul.f32 v45, v53  }
0x19e: {  	v35 =	vadd.f32 v60, v8;
	v60 =	vmul.f32 v46, v14;
	v63 =	vadd.f32 v63, v9  }
0x19f: {  	v42 =	vmul.f32 v28, v34;
	v49 =	vadd.f32 v49, v58;
	v53 =	vmul.f32 v53, v45  }
0x1a0: {  	v46 =	vmul.f32 v46, v15;
	v51 =	vadd.f32 v55, v27;
	v27 =	vadd.f32 v31, v63  }
0x1a1: {  	v31 =	vmul.f32 v42, v52;
	v58 =	vadd.f32 v60, v10;
	v60 =	vsub.f32 $1.500000000e+00, v53  }
0x1a2: {  	v44 =	vadd.f32 v44, v4;
	v56 =	vmul.f32 v21, v21;
	(xrf2) =	vadd.scan.msk.f32 $0xffff, v40;
	v40 =	vadd.f32 v43, v47  }
0x1a3: {  	v52 =	vmul.f32 v31, v42;
	v31 =	vadd.f32 v37, v58;
	v58 =	vadd.f32 v46, v11  }
0x1a4: {  	v41 =	vadd.f32 v56, v41;
	v28 =	vadd.f32 v49, v35  }
0x1a5: {  	v57 =	vmul.f32 v50, v30;
	v34 =	vadd.f32 v51, v58;
	v56 =	vmul.f32 v60, v45;
	v60, _, _ =	vpop (xrf2);
	(xrf2) =	vadd.scan.msk.f32 $0xffff, v40  }
0x1a6: {  	v55 =	vadd.f32 v41, v32;
	v63 =	vmul.f32 v27, v27;
	v59 =	vmul.f32 v28, v28  }
0x1a7: {  	v50 =	vadd.f32 v57, v7;
	v32 =	vmul.f32 v31, v31;
	v37 =	vmul.f32 v34, v34  }
0x1a8: {  	s17 =	simm.s32 $0x10340;
	v30 =	vadd.f32 v63, v59;
	v59 =	vmul.f32 v56, v0;
	v47 =	vmul.f32 v56, v1;
	(xrf2) =	vadd.scan.msk.f32 $0xffff, v55  }
0x1a9: {  	[tilespmem:s17+$0x10] =	vst v61;
	v35 =	vadd.f32 v27, v28;
	v61 =	vmul.f32 v56, v3;
	v41 =	vmul.f32 v56, v2  }
0x1aa: {  	[tilespmem:s17+$0x0] =	vst v44;
	v45 =	vsub.f32 $1.500000000e+00, v52;
	v63 =	vmul.f32 v59, v54;
	v47 =	vmul.f32 v47, v48  }
0x1ab: {  	[tilespmem:s17+$0x20] =	vst v62;
	v40 =	vadd.f32 v34, v31;
	v44 =	vmul.f32 $1.562500000e-02, v60;
	v43 =	vmul.f32 v41, v38  }
0x1ac: {  	s15 =	simm.s32 $0x103C0;
	s8 =	simm.s32 $0x6;
	s16 =	simm.s32 $0x103C0;
	[tilespmem:s17+$0x30] =	vst v50;
	v46, _, _ =	vpop (xrf2);
	v39 =	vmul.f32 v61, v39;
	v41 =	vadd.f32 v63, v4;
	v38 =	vadd.f32 v47, v5  }
.LBB2_5:
0x1ad: {  	s9 =	sadd.s32 $0x1, s8  }
0x1ae: {  	v36 =	vbroadcast v44, $0xF;
	v42 =	vmul.f32 v45, v42;
	s15 =	sadd.s32 $0x80, s15;
	v43 =	vadd.f32 v43, v6;
	s21 =	smov.u32 s8;
	s20 =	sadd.s32 $0x2, s8  }
0x1af: {  	p0 =	slt.u32 s8, $0xC6;
	v46 =	vmul.f32 $1.562500000e-02, v46;
	v45 =	vmov s9;
	v47, _, _ =	vpop (xrf2);
	[tilespmem:s17+$0xFFFFFFC0] =	vst v41;
	v39 =	vadd.f32 v39, v7  }
0x1b0: {  	v49 =	vmul.f32 v44, v44;
	v41 =	vand.u32 $0xFF, v45;
	v45 =	vmul.f32 $1.562500000e-02, v47;
	[tilespmem:s17+$0xFFFFFFD0] =	vst v38  }
0x1b1: {  	s3 =	sadd.s32 $0x80, s3;
	v29 =	vsub.f32 v29, v36;
	v38 =	vor.u32 v16, v41;
	v41 =	vmul.f32 v42, v0;
	[tilespmem:s17+$0xFFFFFFF0] =	vst v39  }
0x1b2: {  	s13 =	sadd.s32 $0x80, s13;
	v39 =	vmul.f32 v46, v46;
	v47 =	vbroadcast v38, $0x0;
	v48 =	vld [tilespmem:s3+$0x30];
	v38 =	vsub.f32 v45, v49;
	v44, _, _ =	vpop (xrf2);
	[tilespmem:s17+$0xFFFFFFE0] =	vst v43;
	s17 =	smov.u32 s16;
	s16 =	smov.u32 s15  }
0x1b3: {  	v26 =	vsub.f32 v26, v36;
	v43 =	vbroadcast v46, $0xF;
	v45 =	vld [tilespmem:s13+$0x30];
	v44 =	vmul.f32 $1.562500000e-02, v44  }
0x1b4: {  	v51 =	vmul.f32 v42, v1;
	v50 =	vmul.f32 v41, v23;
	v46 =	vld [tilespmem:s3+$0x10];
	v49 =	vadd.f32 $9.999999740e-06, v38  }
0x1b5: {  	v53 =	vmul.f32 v42, v2;
	v23 =	vmovc v26;
	v38 =	vsub.f32 v19, v43;
	v52 =	vld [tilespmem:s13+$0x10];
	v44 =	vsub.f32 v44, v39  }
0x1b6: {  	v41 =	vsub.f32 v18, v43;
	v18 =	vmovc v28;
	v19 =	vmovc v31;
	v39 =	vsub.f32 v21, v43;
	v26 =	vld [tilespmem:s3+$0x0];
	v49 =	vbroadcast v49, $0xF  }
0x1b7: {  	v43 =	vsub.f32 v17, v43;
	v17 =	vmovc v27;
	v28 =	vld [tilespmem:s13+$0x0];
	v31 =	vadd.f32 $9.999999740e-06, v44;
	v44 =	vmul.f32 v51, v20;
	v20 =	vmovc v29  }
0x1b8: {  	v21 =	vmovc v34;
	v27 =	vld.idx.msk [tilespmem:v47+s18+$0x0], $0xffff;
	v29 =	vshrl.u32 v49, $0x1;
	v47 =	vmul.f32 $5.000000000e-01, v49;
	v49 =	vadd.f32 v50, v4  }
0x1b9: {  	v34 =	vld [tilespmem:s3+$0x20];
	v29 =	vsub.s32 $0x5F3759DF, v29;
	v31 =	vbroadcast v31, $0xF;
	v44 =	vadd.f32 v44, v5  }
0x1ba: {  	v25 =	vsub.f32 v25, v36;
	v42 =	vmul.f32 v42, v3;
	v50 =	vld [tilespmem:s13+$0x20];
	v51 =	vmul.f32 v29, v47;
	[tilespmem:s17+$0x0] =	vst v49  }
0x1bb: {  	v45 =	vadd.f32 v48, v45;
	v48 =	vshrl.u32 v31, $0x1;
	v31 =	vmul.f32 $5.000000000e-01, v31;
	[tilespmem:s17+$0x10] =	vst v44  }
0x1bc: {  	v44 =	vmov s21;
	v26 =	vadd.f32 v26, v28;
	v28 =	vsub.s32 $0x5F3759DF, v48  }
0x1bd: {  	v46 =	vadd.f32 v46, v52;
	v44 =	vand.u32 $0xFE, v44;
	v48 =	vmul.f32 v28, v31  }
0x1be: {  	v52 =	vmul.f32 v42, v24;
	v24 =	vmovc v25;
	v44 =	vor.u32 v16, v44;
	v49 =	vmul.f32 v27, v12  }
0x1bf: {  	v25 =	vadd.f32 v34, v50;
	v34 =	vmul.f32 v27, v14;
	v42 =	vmul.f32 v28, v48  }
0x1c0: {  	v44 =	vbroadcast v44, $0x0;
	v48 =	vadd.f32 v49, v8;
	v49 =	vmul.f32 v29, v51  }
0x1c1: {  	v50 =	vmul.f32 v27, v15;
	v34 =	vadd.f32 v34, v10;
	v42 =	vsub.f32 $1.500000000e+00, v42  }
0x1c2: {  	v27 =	vmul.f32 v27, v13;
	v26 =	vadd.f32 v26, v48;
	v48 =	vsub.f32 $1.500000000e+00, v49;
	v51 =	vld [tilespmem:s3+$0xFFFFFFC0]  }
0x1c3: {  	v33 =	vmul.f32 v53, v33;
	v49 =	vld [tilespmem:s3+$0xFFFFFFE0];
	v54 =	vadd.f32 v25, v34;
	v28 =	vmul.f32 v28, v42  }
0x1c4: {  	v25 =	vadd.f32 v50, v11;
	v42 =	vmul.f32 v26, v26;
	v48 =	vmul.f32 v29, v48;
	v34 =	vld [tilespmem:s13+$0xFFFFFFE0]  }
0x1c5: {  	v27 =	vadd.f32 v27, v9;
	v50 =	vld [tilespmem:s3+$0xFFFFFFD0];
	v53 =	vmul.f32 v54, v54;
	v55 =	vmul.f32 v28, v31  }
0x1c6: {  	v33 =	vadd.f32 v33, v6;
	v25 =	vadd.f32 v45, v25;
	v45 =	vmul.f32 v48, v47;
	v44 =	vld.idx.msk [tilespmem:v44+s18+$0x0], $0xffff  }
0x1c7: {  	v29 =	vadd.f32 v46, v27;
	v27 =	vadd.f32 v40, v35;
	v56 =	vld [tilespmem:s13+$0xFFFFFFD0];
	v35 =	vmul.f32 v55, v28  }
0x1c8: {  	v46 =	vadd.f32 v25, v54;
	v55 =	vmul.f32 v25, v25;
	v45 =	vmul.f32 v45, v48;
	v40 =	vld [tilespmem:s13+$0xFFFFFFC0];
	[tilespmem:s17+$0x20] =	vst v33  }
0x1c9: {  	v57 =	vadd.f32 v29, v26;
	v58 =	vmul.f32 v29, v29;
	v33 =	vld [tilespmem:s3+$0xFFFFFFF0];
	v35 =	vsub.f32 $1.500000000e+00, v35  }
0x1ca: {  	v53 =	vadd.f32 v55, v53;
	v45 =	vsub.f32 $1.500000000e+00, v45;
	v59 =	vld [tilespmem:s13+$0xFFFFFFF0]  }
0x1cb: {  	v46 =	vadd.f32 v46, v57;
	v55 =	vadd.f32 v58, v42;
	v57 =	vmul.f32 v35, v28  }
0x1cc: {  	v34 =	vadd.f32 v49, v34;
	v28 =	vmul.f32 v44, v12;
	v35 =	vadd.f32 v50, v56  }
0x1cd: {  	v49 =	vmul.f32 v44, v13;
	v40 =	vadd.f32 v51, v40;
	(xrf2) =	vadd.scan.msk.f32 $0xffff, v46;
	v31 =	vmul.f32 v57, v31  }
0x1ce: {  	v42 =	vmul.f32 v45, v48;
	v28 =	vadd.f32 v28, v8;
	v46 =	vmul.f32 v44, v14  }
0x1cf: {  	v45 =	vadd.f32 v49, v9;
	v33 =	vadd.f32 v33, v59;
	v31 =	vmul.f32 v31, v57  }
0x1d0: {  	v32 =	vadd.f32 v37, v32;
	v28 =	vadd.f32 v40, v28;
	v40 =	vmul.f32 v44, v15;
	(xrf2) =	vadd.scan.msk.f32 $0xffff, v27  }
0x1d1: {  	v37 =	vadd.f32 v53, v55;
	v44 =	vmul.f32 v42, v47;
	v27 =	vadd.f32 v35, v45  }
0x1d2: {  	v45 =	vadd.f32 v46, v10;
	v46 =	vmul.f32 v28, v28;
	v47 =	vsub.f32 $1.500000000e+00, v31  }
0x1d3: {  	v35 =	vadd.f32 v27, v28;
	v48 =	vmul.f32 v27, v27;
	(xrf2) =	vadd.scan.msk.f32 $0xffff, v37;
	v37 =	vmul.f32 v44, v42  }
0x1d4: {  	v31 =	vadd.f32 v34, v45;
	v34 =	vadd.f32 v32, v30;
	v47 =	vmul.f32 v47, v57  }
0x1d5: {  	v30 =	vadd.f32 v48, v46;
	v45 =	vsub.f32 $1.500000000e+00, v37  }
0x1d6: {  	v32 =	vmul.f32 v31, v31;
	v37 =	vadd.f32 v40, v11;
	v40 =	vmul.f32 v47, v0;
	(xrf2) =	vadd.scan.msk.f32 $0xffff, v34  }
.Ltmp1:
0x1d7: {  	v49 =	vadd.f32 v52, v7;
	v50 =	vmul.f32 v47, v1;
	v48 =	vmul.f32 v47, v3;
	v44, _, _ =	vpop (xrf2);
	(pc) =	sbr.rel @p0 .LBB2_5-.Ltmp1, $4  }
0x1d8: {  	v47 =	vmul.f32 v47, v2;
	v34 =	vadd.f32 v33, v37;
	v44 =	vmul.f32 $1.562500000e-02, v44  }
0x1d9: {  	v33 =	vsub.f32 v22, v36;
	v51 =	vmul.f32 v40, v41;
	v36 =	vmul.f32 v50, v43;
	[tilespmem:s17+$0x30] =	vst v49  }
0x1da: {  	v43 =	vmul.f32 v47, v38;
	v40 =	vadd.f32 v34, v31;
	v37 =	vmul.f32 v34, v34;
	v46, _, _ =	vpop (xrf2)  }
0x1db: {  	s8 =	smov.u32 s20;
	v39 =	vmul.f32 v48, v39;
	v22 =	vmovc v54;
	v41 =	vadd.f32 v51, v4;
	v38 =	vadd.f32 v36, v5  }
0x1dc: {  	v16 =	vadd.f32 v40, v35;
	v32 =	vadd.f32 v37, v32;
	_ =	sdelay $0x1  }
0x1dd: {  	(xrf2) =	vadd.scan.msk.f32 $0xffff, v16;
	v16 =	vadd.f32 v32, v30;
	_ =	sdelay $0x2  }
0x1de: {  	v63 =	vmul.f32 $1.562500000e-02, v46;
	v62, _, _ =	vpop (xrf2);
	(xrf2) =	vadd.scan.msk.f32 $0xffff, v16  }
0x1df: {  	v16, _, _ =	vpop (xrf2)  }
0x1e0: {  	v40 =	vmul.f32 v63, v63;
	v16 =	vmul.f32 $1.562500000e-02, v16;
	_ =	sdelay $0x1  }
0x1e1: {  	v16 =	vsub.f32 v16, v40;
	_ =	sdelay $0x1  }
0x1e2: {  	v46 =	vmul.f32 v44, v44;
	v30 =	vmul.f32 $1.562500000e-02, v62;
	v16 =	vadd.f32 $9.999999740e-06, v16;
	_ =	sdelay $0x1  }
0x1e3: {  	v30 =	vsub.f32 v30, v46;
	v36, _, _ =	vpop (xrf2);
	v16 =	vbroadcast v16, $0xF  }
0x1e4: {  	v36 =	vmul.f32 $1.562500000e-02, v36  }
0x1e5: {  	v30 =	vadd.f32 $9.999999740e-06, v30;
	v48, _, _ =	vpop (xrf2);
	v47 =	vshrl.u32 v16, $0x1;
	v16 =	vmul.f32 $5.000000000e-01, v16  }
0x1e6: {  	v49 =	vmul.f32 v36, v36;
	v37 =	vmul.f32 $1.562500000e-02, v48;
	v35 =	vsub.s32 $0x5F3759DF, v47  }
0x1e7: {  	v30 =	vbroadcast v30, $0xF;
	v50 =	vmul.f32 v35, v16  }
0x1e8: {  	v37 =	vsub.f32 v37, v49  }
0x1e9: {  	v52 =	vshrl.u32 v30, $0x1;
	v30 =	vmul.f32 $5.000000000e-01, v30;
	v51 =	vmul.f32 v35, v50  }
0x1ea: {  	v46 =	vsub.s32 $0x5F3759DF, v52;
	v37 =	vadd.f32 $9.999999740e-06, v37  }
0x1eb: {  	v47 =	vmul.f32 v46, v30;
	v40 =	vsub.f32 $1.500000000e+00, v51  }
0x1ec: {  	v42 =	vmul.f32 v45, v42;
	v37 =	vbroadcast v37, $0xF  }
0x1ed: {  	v47 =	vmul.f32 v46, v47;
	v35 =	vmul.f32 v35, v40  }
0x1ee: {  	v58 =	vbroadcast v44, $0xF;
	v53 =	vshrl.u32 v37, $0x1;
	v37 =	vmul.f32 $5.000000000e-01, v37  }
0x1ef: {  	v47 =	vsub.f32 $1.500000000e+00, v47;
	v40 =	vsub.s32 $0x5F3759DF, v53;
	v48 =	vmul.f32 v35, v16  }
0x1f0: {  	v32 =	vbroadcast v63, $0xF;
	v54 =	vmul.f32 v40, v37  }
0x1f1: {  	v43 =	vadd.f32 v43, v6;
	v46 =	vmul.f32 v46, v47;
	v48 =	vmul.f32 v48, v35  }
0x1f2: {  	v39 =	vadd.f32 v39, v7;
	v59 =	vmul.f32 v42, v1;
	v45 =	vmul.f32 v40, v54  }
0x1f3: {  	v29 =	vsub.f32 v29, v58;
	v56 =	vmul.f32 v46, v30;
	v55 =	vsub.f32 $1.500000000e+00, v48  }
0x1f4: {  	v60 =	vmul.f32 v42, v2;
	v26 =	vsub.f32 v26, v58;
	v45 =	vsub.f32 $1.500000000e+00, v45  }
0x1f5: {  	v25 =	vsub.f32 v25, v58;
	v57 =	vmul.f32 v56, v46;
	v35 =	vmul.f32 v55, v35  }
0x1f6: {  	v22 =	vsub.f32 v22, v58;
	v19 =	vsub.f32 v19, v32;
	v40 =	vmul.f32 v40, v45  }
0x1f7: {  	v20 =	vmul.f32 v59, v20;
	v45 =	vsub.f32 $1.500000000e+00, v57;
	v16 =	vmul.f32 v35, v16  }
0x1f8: {  	v18 =	vsub.f32 v18, v32;
	v49 =	vmul.f32 v42, v0;
	v61 =	vmul.f32 v40, v37  }
0x1f9: {  	v21 =	vsub.f32 v21, v32;
	v45 =	vmul.f32 v45, v46;
	v16 =	vmul.f32 v16, v35  }
0x1fa: {  	v17 =	vsub.f32 v17, v32;
	v42 =	vmul.f32 v42, v3;
	v32 =	vmul.f32 v61, v40  }
0x1fb: {  	v33 =	vmul.f32 v60, v33;
	v30 =	vmul.f32 v45, v30;
	v16 =	vsub.f32 $1.500000000e+00, v16  }
0x1fc: {  	v23 =	vmul.f32 v49, v23;
	v24 =	vmul.f32 v42, v24;
	v32 =	vsub.f32 $1.500000000e+00, v32  }
0x1fd: {  	v20 =	vadd.f32 v20, v5;
	v30 =	vmul.f32 v30, v45;
	v16 =	vmul.f32 v16, v35  }
0x1fe: {  	v33 =	vadd.f32 v33, v6;
	v46 =	vbroadcast v36, $0xF;
	v32 =	vmul.f32 v32, v40  }
0x1ff: {  	[tilespmem:s17+$0xFFFFFFC0] =	vst v41;
	v30 =	vsub.f32 $1.500000000e+00, v30;
	v35 =	vmul.f32 v16, v0;
	v62 =	vmul.f32 v16, v1  }
0x200: {  	[tilespmem:s17+$0xFFFFFFD0] =	vst v38;
	v23 =	vadd.f32 v23, v4;
	v63 =	vmul.f32 v16, v3;
	v16 =	vmul.f32 v16, v2  }
0x201: {  	[tilespmem:s17+$0xFFFFFFE0] =	vst v43;
	v24 =	vadd.f32 v24, v7;
	v30 =	vmul.f32 v30, v45;
	v42 =	vmul.f32 v32, v37  }
0x202: {  	[tilespmem:s17+$0xFFFFFFF0] =	vst v39;
	v48 =	vsub.f32 v31, v46;
	v18 =	vmul.f32 v35, v18;
	v17 =	vmul.f32 v62, v17  }
0x203: {  	[tilespmem:s16+$0x10] =	vst v20;
	v50 =	vsub.f32 v28, v46;
	v16 =	vmul.f32 v16, v19;
	v45 =	vmul.f32 v42, v32  }
0x204: {  	[tilespmem:s16+$0x20] =	vst v33;
	v51 =	vsub.f32 v34, v46;
	v43 =	vmul.f32 v63, v21;
	v44 =	vmul.f32 v30, v0  }
0x205: {  	[tilespmem:s16+$0x0] =	vst v23;
	v47 =	vmul.f32 v30, v1;
	v18 =	vadd.f32 v18, v4;
	v23 =	vsub.f32 $1.500000000e+00, v45  }
0x206: {  	[tilespmem:s16+$0x30] =	vst v24;
	v49 =	vmul.f32 v30, v2;
	v53 =	vmul.f32 v30, v3;
	v17 =	vadd.f32 v17, v5  }
0x207: {  	v19 =	vadd.f32 v43, v7;
	v21 =	vmul.f32 v44, v26;
	[tilespmem:s16+$0xFFFFFFC0] =	vst v18;
	v23 =	vmul.f32 v23, v32  }
0x208: {  	v16 =	vadd.f32 v16, v6;
	v52 =	vmul.f32 v47, v29;
	v55 =	vmul.f32 v49, v22;
	[tilespmem:s16+$0xFFFFFFD0] =	vst v17  }
0x209: {  	v57 =	vmul.f32 v53, v25;
	[tilespmem:s16+$0xFFFFFFF0] =	vst v19;
	v54 =	vadd.f32 v21, v4;
	v56 =	vmul.f32 v23, v0  }
0x20a: {  	s3 =	sadd.s32 $0x80, s15;
	v17 =	vsub.f32 v27, v46;
	[tilespmem:s16+$0xFFFFFFE0] =	vst v16;
	v16 =	vadd.f32 v52, v5;
	v58 =	vmul.f32 v23, v1  }
0x20b: {  	v59 =	vadd.f32 v55, v6;
	[tilespmem:s3+$0x0] =	vst v54;
	v60 =	vmul.f32 v23, v3;
	v18 =	vmul.f32 v56, v50  }
0x20c: {  	[tilespmem:s3+$0x10] =	vst v16;
	v16 =	vadd.f32 v57, v7;
	v61 =	vmul.f32 v23, v2;
	v17 =	vmul.f32 v58, v17  }
0x20d: {  	s0 =	sadd.s32 $0x1, s0;
	[tilespmem:s3+$0x20] =	vst v59;
	v62 =	vmul.f32 v60, v51;
	v18 =	vadd.f32 v18, v4  }
0x20e: {  	p0 =	sne.s32 s0, $0x10;
	[tilespmem:s3+$0x30] =	vst v16;
	v16 =	vmul.f32 v61, v48;
	v17 =	vadd.f32 v17, v5  }
.Ltmp2:
0x20f: {  	s1 =	sadd.s32 s6, s1;
	v63 =	vadd.f32 v62, v7;
	[tilespmem:s3+$0xFFFFFFC0] =	vst v18;
	(pc) =	sbr.rel @p0 .LBB2_2-.Ltmp2, $4  }
0x210: {  	s1 =	smul.u32 $0x640, s1;
	v16 =	vadd.f32 v16, v6;
	[tilespmem:s3+$0xFFFFFFD0] =	vst v17  }
0x211: {  	[tilespmem:s3+$0xFFFFFFF0] =	vst v63  }
0x212: {  	s1 =	sadd.s32 s4, s1;
	[tilespmem:s3+$0xFFFFFFE0] =	vst v16  }
0x213: {  	[hbm4b:s1+s5] =	stream.linear.scatter [tilespmem:s29], [sflag:$0x4], $0x3200, $0x38;
	[tilespmem:$0x13500] =	vst v63  }
0x214: {  	s2 =	sadd.s32 $0x1, s2  }
0x215: {  	_ =	swait.ge [sflag:s30], $0x3200;
	p0 =	sne.s32 s2, s12  }
.Ltmp3:
0x216: {  	[sflag:s30] =	ssyncset.done $0x0;
	(pc) =	sbr.rel @p0 .LBB2_1-.Ltmp3, $4  }
0x217: {  	[sflag:s30] =	ssyncadd.s32 $0xFFFFCE00  }
0x218: {  	_ =	swait.ge [sflag:s31], $0x3200  }
0x219: {  	[sflag:s31] =	ssyncset.done $0x0  }
0x21a: {  	[sflag:s31] =	ssyncadd.s32 $0xFFFFCE00  }
0x21b: {  	_ =	sfence.sel $0x180000  }
0x21c: {  	[bflag:$0x0] =	sbarrier.arrive $0xFFFF  }
0x21d: {  	_ =	strace $0x90000047  }
0x21e: {  	s0 =	stileid.u32;
	[bflag:$0x2] =	sbarrier.arrive $0xFFFF  }
0x21f: {  	p0 =	sne.s32 s0, $0x0;
	s0 =	rddreg [dreg:$0x4]  }
0x220: {  	s0 =	sadd.s32 @!p0 $0x100000, s0  }
0x221: {  	[sflag:s0] =	ssyncadd.tile.s32 @!p0 $0x1;
	_ =	shalt  }
.Lfunc_end2:
_tile_overlayer_lowered:
.L_overlay_start_2:
0x222: {  	(tag) =	ssettag $0x2  }
0x223: {  	s0 =	rddreg [dreg:$0x0];
	s2 =	stileid.u32  }
0x224: {  	s1 =	rddreg [dreg:$0x1];
	p0 =	sne.s32 s2, $0x0  }
0x225: {  	s3 =	rddreg [dreg:$0x2];
	[bflag:$0x3] =	sbarrier.arrive $0xFFFF;
	s2 =	simm.s32 @!p0 $0x1C05  }
0x226: {  	[timem:s3], [sflag:s2] =	dma.local @!p0 [hbm:s0], s1  }
0x227: {  	s0 =	simm.s32 @!p0 $0x5  }
0x228: {  	_ =	swait.ge @!p0 [sflag:s0], s1  }
0x229: {  	s1 =	ssub.s32 @!p0 $0x0, s1;
	[sflag:s0] =	ssyncset.done @!p0 $0x0  }
0x22a: {  	[sflag:s0] =	ssyncadd.s32 @!p0 s1  }
0x22b: {  	[bflag:$0x3] =	sbarrier.arrive $0xFFFF  }
0x22c: {  	_ =	shalt  }

// kernel: sparse-core-data-format-call.cloned.1.call-start
scs
called_computation_lowered:
.L_overlay_start_0:
0x0: {  	s2 =	sld [smem:$0x3FD9]  }
0x1: {  	s3 =	sld [smem:$0x3FFE];
	_ =	sdelay $0x1  }
0x2: {  	s1 =	srdreg.scid  }
0x3: {  	s0 =	sand.u32 $0x1, s1  }
0x4: {  	s18 =	sshll.u32 s0, $0xA;
	s2 =	sadd.s32 s3, s2  }
0x5: {  	s2 =	sadd.s32 s2, s18  }
0x6: {  	[smem:$0x3FC1] =	sst s2  }
0x7: {  	_ = 	snop  }
0x8: {  	s2 =	sld [smem:$0x3FD0];
	(tm) =	ssettm $0x1  }
0x9: {  	s19 =	sld [smem:$0x3FFB];
	_ =	sdelay $0x3  }
0xa: {  	_ =	strace s19  }
0xb: {  	s3 =	sld [smem:$0x3FFC];
	_ =	sdelay $0x3  }
0xc: {  	_ =	strace s3  }
0xd: {  	s3 =	sld [smem:$0x3FFD];
	_ =	sdelay $0x3  }
0xe: {  	_ =	strace s3  }
0xf: {  	_ =	strace $0x8FFFFFFF  }
0x10: {  	s20 =	sld [smem:$0x3FDB];
	_ =	sdelay $0x1  }
0x11: {  	s4 =	simm.s32 $_scs_section_size  }
0x12: {  	s5 =	simm.s32 $_size__tile_overlayer_lowered;
	s6 =	simm.s32 $_tile_overlayer_lowered  }
0x13: {  	s23 =	simm.s32 $0x1BFF;
	s22 =	sshll.u32 s6, $0x1;
	s3 =	sadd.s32 s4, s20  }
0x14: {  	s7 =	simm.s32 $0x0;
	s21 =	sshll.u32 s5, $0x1;
	s5 =	sadd.s32 s22, s3  }
0x15: {  	[timem:s7], [sflag:s23] =	dma.local [hbm:s5], s21  }
0x16: {  	_ =	swait.ge [sflag:s23], s21  }
0x17: {  	s4 =	ssub.s32 $0x0, s21;
	[sflag:s23] =	ssyncset.done $0x0  }
0x18: {  	[sflag:s23] =	ssyncadd.s32 s4;
	_ =	sdelay $0x1  }
0x19: {  	s24 =	simm.s32 $0x1B8B  }
0x1a: {  	_ =	swait.ge [sflag:s24], $0x1  }
0x1b: {  	[sflag:s24] =	ssyncset.done $0x0  }
0x1c: {  	s26 =	simm.s32 $0x1B8E;
	s25 =	sld [smem:$0x3FFE];
	[sflag:s24] =	ssyncadd.s32 $0xFFFFFFFF  }
0x1d: {  	s27 =	simm.s32 $execute0_lowered;
	[smem:$0x3FD2] =	sst s26  }
0x1e: {  	s5 =	sshll.u32 s27, $0x1;
	_ =	strace $0x80000049;
	[dreg:$0x1] =	wrdreg $0xFFFFFFFF  }
0x1f: {  	s28 =	simm.s32 $_size_execute0_lowered;
	s3 =	sadd.s32 s3, s5;
	[dreg:$0x0] =	wrdreg $0x0  }
0x20: {  	s5 =	sshll.u32 s28, $0x1;
	[dreg:$0x2] =	wrdreg s3  }
0x21: {  	[dreg:$0x3] =	wrdreg s5  }
0x22: {  	[dreg:$0x4] =	wrdreg $0xC0  }
0x23: {  	_ =	task [dreg:s7], $0x5FFFF  }
0x24: {  	[dreg:$0x1] =	wrdreg $0xFFFFFFFF  }
0x25: {  	[dreg:$0x0] =	wrdreg $0x60  }
0x26: {  	[dreg:$0x2] =	wrdreg s25  }
0x27: {  	[dreg:$0x3] =	wrdreg s2  }
0x28: {  	[dreg:$0x4] =	wrdreg $0x9  }
0x29: {  	_ =	task.clear_ibuf [dreg:s7], $0x5FFFF;
	_ =	strace $0x90000049  }
0x2a: {  	s29 =	simm.s32 $0x9;
	_ =	strace $0x8000004B  }
0x2b: {  	_ =	swait.ge [sflag:s29], $0x1  }
0x2c: {  	[sflag:s29] =	ssyncadd.s32 $0xFFFFFFFF  }
0x2d: {  	_ =	strace $0x9000004B  }
0x2e: {  	_ =	sfence  }
0x2f: {  	s30 =	sld [smem:$0x0];
	_ =	sdelay $0x2  }
0x30: {  	s31 =	sshll.u32 s1, $0xD;
	s1 =	sshrl.u32 s1, $0x2  }
0x31: {  	s3 =	sand.u32 $0x4000, s31;
	s1 =	sadd.s32 s1, s30  }
0x32: {  	s0 =	sor.u32 s3, s0;
	s1 =	sshll.u32 s1, $0x11  }
0x33: {  	s0 =	sor.u32 s1, s0  }
0x34: {  	s0 =	sadd.s32 $0x8F2B, s0  }
0x35: {  	[sflag:s0] =	ssyncadd.remote.s32 $0x1  }
0x36: {  	_ =	sfence.sel $0xFFFF  }
0x37: {  	[dreg:$0x0] =	wrdreg $0xFFFFFFFF;
	(pc) =	sbr.abs _section_cstart, $3  }
0x38: {  	[dreg:$0x1] =	wrdreg $0xFFFFFFFF  }
0x39: {  	_ =	task.clear_ibuf [dreg:s7], $0x2FFFF;
	_ =	strace $0x9FFFFFFF  }
0x3a: {  	(tm) =	ssettm $0x7FFFFFFF  }
0x3b: {  	_ =	shalt  }
tec
execute0_lowered:
.L_overlay_start_1:
0x0: {  	(tag) =	ssettag $0x1  }
0x1: {  	s0 =	stileid.u32;
	s6 =	rddreg [dreg:$0x0]  }
0x2: {  	s2 =	rddreg [dreg:$0x1];
	s5 =	srdreg.scid  }
0x3: {  	s31 =	simm.s32 $0x2;
	s13 =	simm.s32 $0x0;
	s1 =	sshll.u32 s0, $0x7  }
0x4: {  	s14 =	simm.s32 $0x0;
	s12 =	simm.s32 $0x0;
	s3 =	sand.u32 $0x380, s1  }
0x5: {  	s5 =	sshll.u32 s5, $0x4;
	s6 =	sadd.s32 $0x1000, s6;
	s4 =	ssub.s32 $0x400, s3  }
0x6: {  	s1 =	rddreg [dreg:$0x2];
	_ =	strace $0x8000004A;
	s7 =	sand.u32 $0x380, s4  }
0x7: {  	s5 =	sand.u32 $0x10, s5;
	p0 =	sne.s32 s7, $0x0;
	s7 =	simm.s32 $0x1  }
.Ltmp0:
0x8: {  	s8 =	sshrl.u32 s4, $0xA;
	s7 =	simm.s32 @!p0 $0x0;
	(pc) =	sbr.rel .LBB1_1-.Ltmp0, $4  }
0x9: {  	s9 =	sor.u32 s0, s5;
	s4 =	simm.s32 $0x1;
	s30 =	sadd.s32 s7, s8  }
0xa: {  	s11 =	smov.u32 s3;
	[sflag:s4] =	ssyncpa.u1 $0x0;
	s5 =	smul.u32 $0x32, s30  }
0xb: {  	[sflag:s31] =	ssyncpa.u1 $0x0;
	p0 =	por $0x0, $0x0;
	s7 =	sshrl.u32 s9, $0x3  }
0xc: {  	s9 =	simm.s32 $0x2000;
	s10 =	smov.u32 s7;
	s8 =	sor.u32 $0x1, s5  }
.LBB1_4:
0xd: {  	s17 =	sand.u32 $0x1F80, s14;
	s13 =	sshll.u32 s13, $0xD  }
0xe: {  	[tilespmem:s16+$0x810 ss:$0x81] =	vst.msk $0xffff, v2;
	s18 =	sshrl.u32 s14, $0x3;
	s31 =	sand.u32 $0x7, s14;
	s17 =	sadd.s32 s2, s17  }
0xf: {  	[tilespmem:s16+$0x1020 ss:$0x81] =	vst.msk $0xffff, v0;
	s18 =	sand.u32 $0xF, s18;
	s14 =	sshll.u32 s31, $0x12;
	s13 =	sadd.s32 s13, s17  }
0x10: {  	[tilespmem:s16+$0x0 ss:$0x81] =	vst.msk $0xffff, v1;
	s14 =	sor.u32 $0x400, s14;
	s13 =	sadd.s32 s18, s13  }
0x11: {  	[hbm4b:s13+s14] =	stream.strided.scatter [tilespmem:s15], [sflag:$0x2], $0x2000, s9, s14, $0x20;
	[tilespmem:$0x8080] =	vst v63  }
.LBB1_5:
0x12: {  	s15 =	sadd.s32 $0x4, s10  }
0x13: {  	s13 =	sadd.s32 $0x400, s11;
	s17 =	smov.u32 s11;
	p2 =	sgt.s32 s15, $0xC7  }
0x14: {  	s17 =	smov.u32 @p2 s13  }
0x15: {  	s15 =	smov.u32 @p2 s7;
	p2 =	sgt.s32 s17, $0x3FF  }
0x16: {  	s17 =	smov.u32 @p2 s3;
	p2 =	sne.s32 s12, s8  }
.Ltmp1:
0x17: {  	p1 =	slt.u32 s12, $0x2;
	(pc) =	sbr.rel @!p2 .LBB1_6-.Ltmp1, $4  }
0x18: {  	s16 =	simm.s32 @!p1 $0x2  }
0x19: {  	s14 =	smov.u32 s11;
	p0 =	por !p0, !p0;
	_ =	swait.ge @!p1 [sflag:s16], $0x2000  }
0x1a: {  	s13 =	smov.u32 s10;
	[sflag:s16] =	ssyncset.done @!p1 $0x0;
	s10 =	smov.u32 s15  }
0x1b: {  	s12 =	sadd.s32 $0x1, s12;
	[sflag:s16] =	ssyncadd.s32 @!p1 $0xFFFFE000;
	s11 =	smov.u32 s17  }
.LBB1_1:
0x1c: {  	p1 =	sge.u32 s12, s5  }
0x1d: {  	s15 =	sand.u32 @!p1 $0x1FFFFFF, s10  }
0x1e: {  	s16 =	smulhi.u32 @!p1 $0x147AE15, s15;
	_ =	sdelay $0x1  }
0x1f: {  	s16 =	smul.u32 @!p1 $0xC8, s16  }
0x20: {  	s17 =	sxor.u32 @!p1 $0xFFFFFFFF, s12;
	s18 =	smul.u32 @!p1 $0xC80, s11  }
0x21: {  	s31 =	sadd.s32 $0xFFFFFFFF, s12;
	s17 =	sshll.u32 @!p1 s17, $0xD;
	s15 =	ssub.s32 @!p1 s15, s16  }
0x22: {  	s16 =	sand.u32 @!p1 $0x2000, s17;
	s17 =	sadd.s32 @!p1 s6, s18;
	s15 =	sshll.u32 @!p1 s15, $0x4  }
0x23: {  	s18 =	simm.s32 @!p1 $0x6400;
	s15 =	sadd.s32 @!p1 s15, s17;
	s17 =	simm.s32 @!p1 $0x40  }
0x24: {  	[tilespmem:s16], [sflag:$0x1] =	stream.strided.gather @!p1 [hbm4b:s15+s17], $0x2000, s18, s17, $0x38;
	[tilespmem:$0x8080] =	vst v63  }
0x25: {  	p1 =	sge.u32 s31, s5  }
.Ltmp2:
0x26: {  	_ = 	snop;
	(pc) =	sbr.rel @p1 .LBB1_5-.Ltmp2, $1  }
0x27: {  	_ =	sdelay $0x3  }
0x28: {  	s15 =	simm.s32 $0x1  }
0x29: {  	_ =	swait.ge [sflag:s4], $0x2000;
	s15 =	simm.s32 @!p0 $0x0  }
0x2a: {  	[sflag:s4] =	ssyncset.done $0x0;
	s16 =	sshll.u32 s15, $0xD  }
0x2b: {  	[sflag:s4] =	ssyncadd.s32 $0xFFFFE000;
	s19 =	sor.u32 $0x20, s16  }
0x2c: {  	s15 =	smul.u32 $0x8100, s15;
	v3 =	vld [tilespmem:s19+$0x10]  }
0x2d: {  	s30 =	sand.u32 $0x1, s12;
	v2 =	vld [tilespmem:s19+$0xFFFFFFF0]  }
0x2e: {  	s16 =	smul.u32 $0x8100, s30;
	s15 =	sshrl.u32 s15, $0x2;
	v0 =	vld [tilespmem:s19+$0x0]  }
0x2f: {  	v1 =	vld [tilespmem:s19+$0xFFFFFFE0];
	s17 =	sor.u32 $0x4000, s15  }
0x30: {  	s31 =	sshrl.u32 s16, $0x2;
	s16 =	sadd.s32 $0x0, s17  }
0x31: {  	s18 =	simm.s32 $0x4;
	s19 =	sadd.s32 $0x40, s19;
	s15 =	sor.u32 $0x4000, s31;
	[tilespmem:s16+$0x1830 ss:$0x81] =	vst.msk $0xffff, v3  }
.LBB1_3:
0x32: {  	v3 =	vld [tilespmem:s19+$0x10];
	p1 =	sne.s32 s18, $0x1FC;
	[tilespmem:s16+$0x810 ss:$0x81] =	vst.msk $0xffff, v2;
	s20 =	smov.u32 s18;
	s18 =	sadd.s32 $0x4, s18  }
.Ltmp3:
0x33: {  	v2 =	vld [tilespmem:s19+$0xFFFFFFF0];
	[tilespmem:s16+$0x1020 ss:$0x81] =	vst.msk $0xffff, v0;
	(pc) =	sbr.rel @p1 .LBB1_3-.Ltmp3, $4  }
0x34: {  	v0 =	vld [tilespmem:s19+$0x0];
	[tilespmem:s16+$0x0 ss:$0x81] =	vst.msk $0xffff, v1  }
0x35: {  	s16 =	sshra.s32 s20, $0x2;
	v1 =	vld [tilespmem:s19+$0xFFFFFFE0]  }
0x36: {  	s16 =	sadd.s32 s16, s17  }
0x37: {  	s19 =	sadd.s32 $0x40, s19;
	[tilespmem:s16+$0x1830 ss:$0x81] =	vst.msk $0xffff, v3  }
.Ltmp4:
0x38: {  	_ = 	snop;
	(pc) =	sbr.rel .LBB1_4-.Ltmp4, $1  }
0x39: {  	_ =	sdelay $0x3  }
.LBB1_6:
0x3a: {  	_ =	sfence.sel $0x180000  }
0x3b: {  	s2 =	simm.s32 $0x1;
	[bflag:$0x0] =	sbarrier.arrive $0xFFFF  }
0x3c: {  	s31 =	simm.s32 $0x2;
	[sflag:s2] =	ssyncpa.u1 $0x1  }
0x3d: {  	[sflag:s31] =	ssyncpa.u1 $0x1  }
0x3e: {  	p0 =	sne.s32 s0, $0x0;
	_ =	strace $0x9000004A  }
0x3f: {  	s0 =	sadd.s32 @!p0 $0x100000, s1;
	[bflag:$0x2] =	sbarrier.arrive $0xFFFF  }
0x40: {  	[sflag:s0] =	ssyncadd.tile.s32 @!p0 $0x1;
	_ =	shalt  }
.Lfunc_end1:
_tile_overlayer_lowered:
.L_overlay_start_2:
0x41: {  	(tag) =	ssettag $0x2  }
0x42: {  	s0 =	rddreg [dreg:$0x0];
	s2 =	stileid.u32  }
0x43: {  	s1 =	rddreg [dreg:$0x1];
	p0 =	sne.s32 s2, $0x0  }
0x44: {  	s3 =	rddreg [dreg:$0x2];
	[bflag:$0x3] =	sbarrier.arrive $0xFFFF;
	s2 =	simm.s32 @!p0 $0x1C01  }
0x45: {  	[timem:s3], [sflag:s2] =	dma.local @!p0 [hbm:s0], s1  }
0x46: {  	s0 =	simm.s32 @!p0 $0x1  }
0x47: {  	_ =	swait.ge @!p0 [sflag:s0], s1  }
0x48: {  	s1 =	ssub.s32 @!p0 $0x0, s1;
	[sflag:s0] =	ssyncset.done @!p0 $0x0  }
0x49: {  	[sflag:s0] =	ssyncadd.s32 @!p0 s1  }
0x4a: {  	[bflag:$0x3] =	sbarrier.arrive $0xFFFF  }
0x4b: {  	_ =	shalt  }

</sc_bundles>
